<compile_context>
chip_gen: v7x
topology: tpu7x:2x2x1
jax: 0.10.2.dev20260603
libtpu: 0.0.44.dev20260713+nightly
codegen_flags: <defaults>
</compile_context>

<pallas_src>
import functools

import jax
import jax.numpy as jnp
from jax import lax
from jax.experimental import pallas as pl
from jax.experimental.pallas import tpu as pltpu
from jax.experimental.pallas import tpu_sc as plsc

N_ATTRS = 26
VOCAB = 1000
D_MODEL = 128
BATCH = 16384
ROWS = BATCH * N_ATTRS

NC = 2
NS = 16
NW = NC * NS


_FB = 2000


def _fuse_body(prior_ref, opt_ref, attr_ref, out_ref):
    a = 2 * pl.program_id(0)
    half = (opt_ref[pl.ds(0, VOCAB), :] + attr_ref[0]) * prior_ref[a, 0]
    half2 = (opt_ref[pl.ds(VOCAB, VOCAB), :] + attr_ref[1]) * prior_ref[a + 1, 0]
    out_ref[pl.ds(0, VOCAB), :] = half
    out_ref[pl.ds(VOCAB, VOCAB), :] = half2


def _fused_table(attr_emb, option_embs, prior):
    return pl.pallas_call(
        _fuse_body,
        grid=(N_ATTRS * VOCAB // _FB,),
        in_specs=[
            pl.BlockSpec(memory_space=pltpu.SMEM),
            pl.BlockSpec((_FB, D_MODEL), lambda i: (i, 0)),
            pl.BlockSpec((2, 1, D_MODEL), lambda i: (i, 0, 0)),
        ],
        out_specs=pl.BlockSpec((_FB, D_MODEL), lambda i: (i, 0)),
        out_shape=jax.ShapeDtypeStruct((N_ATTRS * VOCAB, D_MODEL),
                                       jnp.float32),
    )(prior, option_embs.reshape(N_ATTRS * VOCAB, D_MODEL),
      attr_emb.reshape(N_ATTRS, 1, D_MODEL))


_IR = ROWS // D_MODEL


def _idx_body(x_ref, out_ref):
    j = (lax.broadcasted_iota(jnp.int32, (_IR, D_MODEL), 0) * D_MODEL
         + lax.broadcasted_iota(jnp.int32, (_IR, D_MODEL), 1))
    out_ref[...] = x_ref[...] + (j % N_ATTRS) * VOCAB


def _flat_idx(x_flat):
    return pl.pallas_call(
        _idx_body,
        out_shape=jax.ShapeDtypeStruct((_IR, D_MODEL), jnp.int32),
    )(x_flat.reshape(_IR, D_MODEL))


BPW = BATCH // NW
RPW = BPW * N_ATTRS
CB = 4
CROWS = CB * N_ATTRS
GROWS = 104
GPC = CROWS // GROWS
NCHUNK = BPW // CB
NBUF = 8

_mesh = plsc.VectorSubcoreMesh(core_axis_name="c", subcore_axis_name="s")


@functools.partial(
    pl.kernel,
    mesh=_mesh,
    out_type=jax.ShapeDtypeStruct((BATCH, N_ATTRS, D_MODEL), jnp.float32),
    scratch_types=[
        pltpu.VMEM((RPW,), jnp.int32),
        [pltpu.VMEM((CROWS, D_MODEL), jnp.float32) for _ in range(NBUF)],
        [pltpu.SemaphoreType.DMA for _ in range(NBUF)],
        [pltpu.SemaphoreType.DMA for _ in range(NBUF)],
    ],
)
def _gather_kernel(table_hbm, idx_hbm, out_hbm, idx_v, bufs, gsems, ssems):
    wid = lax.axis_index("s") * NC + lax.axis_index("c")
    rbase = wid * RPW
    bbase = wid * BPW
    pltpu.sync_copy(idx_hbm.at[pl.ds(rbase, RPW)], idx_v)

    def start_gathers(c, b):
        for g in range(GPC):
            pltpu.async_copy(
                table_hbm.at[idx_v.at[pl.ds(c * CROWS + g * GROWS, GROWS)]],
                bufs[b].at[pl.ds(g * GROWS, GROWS)], gsems[b])

    def wait_gathers(b):
        pltpu.make_async_copy(table_hbm.at[pl.ds(0, CROWS)], bufs[b],
                              gsems[b]).wait()

    def start_put(c, b):
        pltpu.async_copy(bufs[b].reshape(CB, N_ATTRS, D_MODEL),
                         out_hbm.at[pl.ds(bbase + c * CB, CB)], ssems[b])

    def wait_put(c, b):
        pltpu.make_async_copy(bufs[b].reshape(CB, N_ATTRS, D_MODEL),
                              out_hbm.at[pl.ds(bbase + c * CB, CB)],
                              ssems[b]).wait()

    for b in range(NBUF):
        start_gathers(b, b)

    def body(p, carry):
        c0 = NBUF * p
        for b in range(NBUF):
            c = c0 + b
            wait_gathers(b)
            start_put(c, b)
            wait_put(c, b)
            start_gathers(c + NBUF, b)
        return carry

    lax.fori_loop(0, NCHUNK // NBUF - 1, body, 0)

    c0 = NCHUNK - NBUF
    for b in range(NBUF):
        wait_gathers(b)
        start_put(c0 + b, b)
    for b in range(NBUF):
        wait_put(c0 + b, b)


def kernel(x, attr_emb, option_embs, prior):
    x = x.astype(jnp.int32)
    table = _fused_table(attr_emb, option_embs, prior)
    idx = _flat_idx(x.reshape(ROWS)).reshape(ROWS)
    return _gather_kernel(table, idx)

# --- scband reference (transcript-rebuilt; emitter-appended) ---
"""Pipeline reference for scband-scale-tokenizer-35150012351263 (READ-ONLY COPY).

The authoritative reference and input builder live on the scoring server;
editing this copy changes nothing except your own understanding.
"""

import jax, jax.numpy as jnp
import numpy as np

N_ATTRS = 26
VOCAB = 1000
D_MODEL = 128
BATCH = 16384

def setup_inputs(seed: int = 0) -> dict:
    key = jax.random.key(seed)
    k1, k2, k3 = jax.random.split(key, 3)
    x = jax.random.randint(k1, (BATCH, N_ATTRS), 0, VOCAB, dtype=jnp.int64 if jax.config.jax_enable_x64 else jnp.int32)
    attr_emb = jax.random.normal(k2, (N_ATTRS, D_MODEL), dtype=jnp.float32)
    option_embs = jax.random.normal(k3, (N_ATTRS, VOCAB, D_MODEL), dtype=jnp.float32)
    prior = jnp.ones((N_ATTRS, 1), dtype=jnp.float32)
    return {"x": x, "attr_emb": attr_emb, "option_embs": option_embs, "prior": prior}

def reference(x, attr_emb, option_embs, prior):
    B = x.shape[0]
    # attr_part: [B, n_attrs, d_model] broadcast of attr embedding table
    attr_part = jnp.broadcast_to(attr_emb[None, :, :], (B, N_ATTRS, D_MODEL))
    # val_part: per-attribute embedding lookup; option_embs[i, x[:, i]] stacked on dim 1
    attr_ids = jnp.arange(N_ATTRS)[None, :]  # [1, n_attrs]
    val_part = option_embs[attr_ids, x]       # [B, n_attrs, d_model]
    return (attr_part + val_part) * prior[None, :, :]

if __name__ == "__main__":
    import jax
    _d = setup_inputs()
    print(jax.jit(kernel)(*tuple(_d.values())))

</pallas_src>

<mosaic_0001>
#map = affine_map<(d0, d1) -> (0, 0)>
#map1 = affine_map<(d0, d1) -> (0)>
#map2 = affine_map<(d0, d1) -> (0, 0, 0)>
module attributes {stable_mosaic.version = 14 : i64} {
  func.func @_gather_kernel(%arg0: i32, %arg1: i32, %arg2: memref<26000x128xf32, #tpu.memory_space<hbm>>, %arg3: memref<425984xi32, #tpu.memory_space<hbm>>, %arg4: memref<16384x26x128xf32, #tpu.memory_space<hbm>>, %arg5: memref<13312xi32, #tpu.memory_space<vmem>>, %arg6: memref<104x128xf32, #tpu.memory_space<vmem>>, %arg7: memref<104x128xf32, #tpu.memory_space<vmem>>, %arg8: memref<104x128xf32, #tpu.memory_space<vmem>>, %arg9: memref<104x128xf32, #tpu.memory_space<vmem>>, %arg10: memref<104x128xf32, #tpu.memory_space<vmem>>, %arg11: memref<104x128xf32, #tpu.memory_space<vmem>>, %arg12: memref<104x128xf32, #tpu.memory_space<vmem>>, %arg13: memref<104x128xf32, #tpu.memory_space<vmem>>, %arg14: memref<!tpu.dma_semaphore, #tpu.memory_space<semaphore_mem>>, %arg15: memref<!tpu.dma_semaphore, #tpu.memory_space<semaphore_mem>>, %arg16: memref<!tpu.dma_semaphore, #tpu.memory_space<semaphore_mem>>, %arg17: memref<!tpu.dma_semaphore, #tpu.memory_space<semaphore_mem>>, %arg18: memref<!tpu.dma_semaphore, #tpu.memory_space<semaphore_mem>>, %arg19: memref<!tpu.dma_semaphore, #tpu.memory_space<semaphore_mem>>, %arg20: memref<!tpu.dma_semaphore, #tpu.memory_space<semaphore_mem>>, %arg21: memref<!tpu.dma_semaphore, #tpu.memory_space<semaphore_mem>>, %arg22: memref<!tpu.dma_semaphore, #tpu.memory_space<semaphore_mem>>, %arg23: memref<!tpu.dma_semaphore, #tpu.memory_space<semaphore_mem>>, %arg24: memref<!tpu.dma_semaphore, #tpu.memory_space<semaphore_mem>>, %arg25: memref<!tpu.dma_semaphore, #tpu.memory_space<semaphore_mem>>, %arg26: memref<!tpu.dma_semaphore, #tpu.memory_space<semaphore_mem>>, %arg27: memref<!tpu.dma_semaphore, #tpu.memory_space<semaphore_mem>>, %arg28: memref<!tpu.dma_semaphore, #tpu.memory_space<semaphore_mem>>, %arg29: memref<!tpu.dma_semaphore, #tpu.memory_space<semaphore_mem>>) attributes {dimension_semantics = [#tpu.dimension_semantics<core_parallel>, #tpu.dimension_semantics<subcore_parallel>], iteration_bounds = array<i64: 2, 16>, scalar_prefetch = 0 : i64, scratch_operands = 25 : i64, tpu.core_type = #tpu.core_type<sc_vector_subcore>, window_params = [{transform_indices = #map}, {transform_indices = #map1}, {transform_indices = #map2}]} {
    %mul3A = arith.constant 2 : i32
    %mul3A_0 = arith.muli %arg1, %mul3A : i32
    %add3A = arith.addi %mul3A_0, %arg0 : i32
    %mul3A_1 = arith.constant 13312 : i32
    %mul3A_2 = arith.muli %add3A, %mul3A_1 : i32
    %mul3A_3 = arith.constant 512 : i32
    %mul3A_4 = arith.muli %add3A, %mul3A_3 : i32
    "tpu.region"() ({
      %run_scoped3A = tpu.sem_alloc : memref<!tpu.dma_semaphore, #tpu.memory_space<semaphore_mem>>
      %dma_start3A_280 = tpu.memref_slice %arg3[%mul3A_2] : memref<425984xi32, #tpu.memory_space<hbm>> -> memref<13312xi32, #tpu.memory_space<hbm>>
      %dma_start3A_281 = tpu.memref_slice %arg3[%mul3A_2] : memref<425984xi32, #tpu.memory_space<hbm>> -> memref<13312xi32, #tpu.memory_space<hbm>>
      tpu.enqueue_dma source(%dma_start3A_281 : memref<13312xi32, #tpu.memory_space<hbm>>) target(%arg5 : memref<13312xi32, #tpu.memory_space<vmem>>) target_semaphore(%run_scoped3A : memref<!tpu.dma_semaphore, #tpu.memory_space<semaphore_mem>>)
      %dma_wait3A_282 = tpu.memref_slice %arg3[%mul3A_2] : memref<425984xi32, #tpu.memory_space<hbm>> -> memref<13312xi32, #tpu.memory_space<hbm>>
      %dma_wait3A_283 = tpu.memref_slice %arg3[%mul3A_2] : memref<425984xi32, #tpu.memory_space<hbm>> -> memref<13312xi32, #tpu.memory_space<hbm>>
      tpu.wait_dma2 semaphore(%run_scoped3A : memref<!tpu.dma_semaphore, #tpu.memory_space<semaphore_mem>>) src(%dma_wait3A_283 : memref<13312xi32, #tpu.memory_space<hbm>>) dst(%arg5 : memref<13312xi32, #tpu.memory_space<vmem>>)
      tpu.yield
    }) : () -> ()
    %dma_start3A = arith.constant 0 : i32
    %dma_start3A_5 = arith.constant 0 : i32
    %dma_start3A_6 = tpu.memref_slice %arg6[%dma_start3A, %dma_start3A_5] : memref<104x128xf32, #tpu.memory_space<vmem>> -> memref<104x128xf32, #tpu.memory_space<vmem>>
    %dma_start3A_7 = arith.constant 0 : i32
    %dma_start3A_8 = tpu.memref_slice %arg5[%dma_start3A_7] : memref<13312xi32, #tpu.memory_space<vmem>> -> memref<104xi32, #tpu.memory_space<vmem>>
    %dma_start3A_9 = arith.constant 0 : i32
    %dma_start3A_10 = arith.constant 0 : i32
    %dma_start3A_11 = tpu.memref_slice %arg2[%dma_start3A_9, %dma_start3A_10] : memref<26000x128xf32, #tpu.memory_space<hbm>> -> memref<26000x128xf32, #tpu.memory_space<hbm>>
    tpu.enqueue_indirect_dma source(%dma_start3A_11 : memref<26000x128xf32, #tpu.memory_space<hbm>>) target(%dma_start3A_6 : memref<104x128xf32, #tpu.memory_space<vmem>>) offsets(%dma_start3A_8 : memref<104xi32, #tpu.memory_space<vmem>>) semaphore(%arg14 : memref<!tpu.dma_semaphore, #tpu.memory_space<semaphore_mem>>)
    %dma_start3A_12 = arith.constant 0 : i32
    %dma_start3A_13 = arith.constant 0 : i32
    %dma_start3A_14 = tpu.memref_slice %arg7[%dma_start3A_12, %dma_start3A_13] : memref<104x128xf32, #tpu.memory_space<vmem>> -> memref<104x128xf32, #tpu.memory_space<vmem>>
    %dma_start3A_15 = arith.constant 104 : i32
    %dma_start3A_16 = tpu.memref_slice %arg5[%dma_start3A_15] : memref<13312xi32, #tpu.memory_space<vmem>> -> memref<104xi32, #tpu.memory_space<vmem>>
    %dma_start3A_17 = arith.constant 0 : i32
    %dma_start3A_18 = arith.constant 0 : i32
    %dma_start3A_19 = tpu.memref_slice %arg2[%dma_start3A_17, %dma_start3A_18] : memref<26000x128xf32, #tpu.memory_space<hbm>> -> memref<26000x128xf32, #tpu.memory_space<hbm>>
    tpu.enqueue_indirect_dma source(%dma_start3A_19 : memref<26000x128xf32, #tpu.memory_space<hbm>>) target(%dma_start3A_14 : memref<104x128xf32, #tpu.memory_space<vmem>>) offsets(%dma_start3A_16 : memref<104xi32, #tpu.memory_space<vmem>>) semaphore(%arg15 : memref<!tpu.dma_semaphore, #tpu.memory_space<semaphore_mem>>)
    %dma_start3A_20 = arith.constant 0 : i32
    %dma_start3A_21 = arith.constant 0 : i32
    %dma_start3A_22 = tpu.memref_slice %arg8[%dma_start3A_20, %dma_start3A_21] : memref<104x128xf32, #tpu.memory_space<vmem>> -> memref<104x128xf32, #tpu.memory_space<vmem>>
    %dma_start3A_23 = arith.constant 208 : i32
    %dma_start3A_24 = tpu.memref_slice %arg5[%dma_start3A_23] : memref<13312xi32, #tpu.memory_space<vmem>> -> memref<104xi32, #tpu.memory_space<vmem>>
    %dma_start3A_25 = arith.constant 0 : i32
    %dma_start3A_26 = arith.constant 0 : i32
    %dma_start3A_27 = tpu.memref_slice %arg2[%dma_start3A_25, %dma_start3A_26] : memref<26000x128xf32, #tpu.memory_space<hbm>> -> memref<26000x128xf32, #tpu.memory_space<hbm>>
    tpu.enqueue_indirect_dma source(%dma_start3A_27 : memref<26000x128xf32, #tpu.memory_space<hbm>>) target(%dma_start3A_22 : memref<104x128xf32, #tpu.memory_space<vmem>>) offsets(%dma_start3A_24 : memref<104xi32, #tpu.memory_space<vmem>>) semaphore(%arg16 : memref<!tpu.dma_semaphore, #tpu.memory_space<semaphore_mem>>)
    %dma_start3A_28 = arith.constant 0 : i32
    %dma_start3A_29 = arith.constant 0 : i32
    %dma_start3A_30 = tpu.memref_slice %arg9[%dma_start3A_28, %dma_start3A_29] : memref<104x128xf32, #tpu.memory_space<vmem>> -> memref<104x128xf32, #tpu.memory_space<vmem>>
    %dma_start3A_31 = arith.constant 312 : i32
    %dma_start3A_32 = tpu.memref_slice %arg5[%dma_start3A_31] : memref<13312xi32, #tpu.memory_space<vmem>> -> memref<104xi32, #tpu.memory_space<vmem>>
    %dma_start3A_33 = arith.constant 0 : i32
    %dma_start3A_34 = arith.constant 0 : i32
    %dma_start3A_35 = tpu.memref_slice %arg2[%dma_start3A_33, %dma_start3A_34] : memref<26000x128xf32, #tpu.memory_space<hbm>> -> memref<26000x128xf32, #tpu.memory_space<hbm>>
    tpu.enqueue_indirect_dma source(%dma_start3A_35 : memref<26000x128xf32, #tpu.memory_space<hbm>>) target(%dma_start3A_30 : memref<104x128xf32, #tpu.memory_space<vmem>>) offsets(%dma_start3A_32 : memref<104xi32, #tpu.memory_space<vmem>>) semaphore(%arg17 : memref<!tpu.dma_semaphore, #tpu.memory_space<semaphore_mem>>)
    %dma_start3A_36 = arith.constant 0 : i32
    %dma_start3A_37 = arith.constant 0 : i32
    %dma_start3A_38 = tpu.memref_slice %arg10[%dma_start3A_36, %dma_start3A_37] : memref<104x128xf32, #tpu.memory_space<vmem>> -> memref<104x128xf32, #tpu.memory_space<vmem>>
    %dma_start3A_39 = arith.constant 416 : i32
    %dma_start3A_40 = tpu.memref_slice %arg5[%dma_start3A_39] : memref<13312xi32, #tpu.memory_space<vmem>> -> memref<104xi32, #tpu.memory_space<vmem>>
    %dma_start3A_41 = arith.constant 0 : i32
    %dma_start3A_42 = arith.constant 0 : i32
    %dma_start3A_43 = tpu.memref_slice %arg2[%dma_start3A_41, %dma_start3A_42] : memref<26000x128xf32, #tpu.memory_space<hbm>> -> memref<26000x128xf32, #tpu.memory_space<hbm>>
    tpu.enqueue_indirect_dma source(%dma_start3A_43 : memref<26000x128xf32, #tpu.memory_space<hbm>>) target(%dma_start3A_38 : memref<104x128xf32, #tpu.memory_space<vmem>>) offsets(%dma_start3A_40 : memref<104xi32, #tpu.memory_space<vmem>>) semaphore(%arg18 : memref<!tpu.dma_semaphore, #tpu.memory_space<semaphore_mem>>)
    %dma_start3A_44 = arith.constant 0 : i32
    %dma_start3A_45 = arith.constant 0 : i32
    %dma_start3A_46 = tpu.memref_slice %arg11[%dma_start3A_44, %dma_start3A_45] : memref<104x128xf32, #tpu.memory_space<vmem>> -> memref<104x128xf32, #tpu.memory_space<vmem>>
    %dma_start3A_47 = arith.constant 520 : i32
    %dma_start3A_48 = tpu.memref_slice %arg5[%dma_start3A_47] : memref<13312xi32, #tpu.memory_space<vmem>> -> memref<104xi32, #tpu.memory_space<vmem>>
    %dma_start3A_49 = arith.constant 0 : i32
    %dma_start3A_50 = arith.constant 0 : i32
    %dma_start3A_51 = tpu.memref_slice %arg2[%dma_start3A_49, %dma_start3A_50] : memref<26000x128xf32, #tpu.memory_space<hbm>> -> memref<26000x128xf32, #tpu.memory_space<hbm>>
    tpu.enqueue_indirect_dma source(%dma_start3A_51 : memref<26000x128xf32, #tpu.memory_space<hbm>>) target(%dma_start3A_46 : memref<104x128xf32, #tpu.memory_space<vmem>>) offsets(%dma_start3A_48 : memref<104xi32, #tpu.memory_space<vmem>>) semaphore(%arg19 : memref<!tpu.dma_semaphore, #tpu.memory_space<semaphore_mem>>)
    %dma_start3A_52 = arith.constant 0 : i32
    %dma_start3A_53 = arith.constant 0 : i32
    %dma_start3A_54 = tpu.memref_slice %arg12[%dma_start3A_52, %dma_start3A_53] : memref<104x128xf32, #tpu.memory_space<vmem>> -> memref<104x128xf32, #tpu.memory_space<vmem>>
    %dma_start3A_55 = arith.constant 624 : i32
    %dma_start3A_56 = tpu.memref_slice %arg5[%dma_start3A_55] : memref<13312xi32, #tpu.memory_space<vmem>> -> memref<104xi32, #tpu.memory_space<vmem>>
    %dma_start3A_57 = arith.constant 0 : i32
    %dma_start3A_58 = arith.constant 0 : i32
    %dma_start3A_59 = tpu.memref_slice %arg2[%dma_start3A_57, %dma_start3A_58] : memref<26000x128xf32, #tpu.memory_space<hbm>> -> memref<26000x128xf32, #tpu.memory_space<hbm>>
    tpu.enqueue_indirect_dma source(%dma_start3A_59 : memref<26000x128xf32, #tpu.memory_space<hbm>>) target(%dma_start3A_54 : memref<104x128xf32, #tpu.memory_space<vmem>>) offsets(%dma_start3A_56 : memref<104xi32, #tpu.memory_space<vmem>>) semaphore(%arg20 : memref<!tpu.dma_semaphore, #tpu.memory_space<semaphore_mem>>)
    %dma_start3A_60 = arith.constant 0 : i32
    %dma_start3A_61 = arith.constant 0 : i32
    %dma_start3A_62 = tpu.memref_slice %arg13[%dma_start3A_60, %dma_start3A_61] : memref<104x128xf32, #tpu.memory_space<vmem>> -> memref<104x128xf32, #tpu.memory_space<vmem>>
    %dma_start3A_63 = arith.constant 728 : i32
    %dma_start3A_64 = tpu.memref_slice %arg5[%dma_start3A_63] : memref<13312xi32, #tpu.memory_space<vmem>> -> memref<104xi32, #tpu.memory_space<vmem>>
    %dma_start3A_65 = arith.constant 0 : i32
    %dma_start3A_66 = arith.constant 0 : i32
    %dma_start3A_67 = tpu.memref_slice %arg2[%dma_start3A_65, %dma_start3A_66] : memref<26000x128xf32, #tpu.memory_space<hbm>> -> memref<26000x128xf32, #tpu.memory_space<hbm>>
    tpu.enqueue_indirect_dma source(%dma_start3A_67 : memref<26000x128xf32, #tpu.memory_space<hbm>>) target(%dma_start3A_62 : memref<104x128xf32, #tpu.memory_space<vmem>>) offsets(%dma_start3A_64 : memref<104xi32, #tpu.memory_space<vmem>>) semaphore(%arg21 : memref<!tpu.dma_semaphore, #tpu.memory_space<semaphore_mem>>)
    %scan3A = arith.constant 0 : i32
    %scan3A_68 = arith.constant 0 : i32
    %scan3A_69 = arith.constant 15 : i32
    %scan3A_70 = arith.addi %scan3A_68, %scan3A_69 : i32
    %scan3A_71 = arith.constant 1 : i32
    scf.for %scan3A_280 = %scan3A_68 to %scan3A_70 step %scan3A_71  : i32 {
      %mul3A_281 = arith.constant 8 : i32
      %mul3A_282 = arith.muli %mul3A_281, %scan3A_280 : i32
      %add3A_283 = arith.constant 0 : i32
      %add3A_284 = arith.addi %mul3A_282, %add3A_283 : i32
      %dma_wait3A_285 = arith.constant 0 : i32
      %dma_wait3A_286 = arith.constant 0 : i32
      %dma_wait3A_287 = tpu.memref_slice %arg2[%dma_wait3A_285, %dma_wait3A_286] : memref<26000x128xf32, #tpu.memory_space<hbm>> -> memref<104x128xf32, #tpu.memory_space<hbm>>
      %dma_wait3A_288 = arith.constant 0 : i32
      %dma_wait3A_289 = arith.constant 0 : i32
      %dma_wait3A_290 = tpu.memref_slice %arg2[%dma_wait3A_288, %dma_wait3A_289] : memref<26000x128xf32, #tpu.memory_space<hbm>> -> memref<104x128xf32, #tpu.memory_space<hbm>>
      tpu.wait_dma2 semaphore(%arg14 : memref<!tpu.dma_semaphore, #tpu.memory_space<semaphore_mem>>) src(%dma_wait3A_290 : memref<104x128xf32, #tpu.memory_space<hbm>>) dst(%arg6 : memref<104x128xf32, #tpu.memory_space<vmem>>)
      %mul3A_291 = arith.constant 4 : i32
      %mul3A_292 = arith.muli %add3A_284, %mul3A_291 : i32
      %add3A_293 = arith.addi %mul3A_4, %mul3A_292 : i32
      %dma_start3A_294 = tpu.memref_reshape %arg6 : memref<104x128xf32, #tpu.memory_space<vmem>> -> memref<4x26x128xf32, #tpu.memory_space<vmem>>
      %dma_start3A_295 = arith.constant 0 : i32
      %dma_start3A_296 = arith.constant 0 : i32
      %dma_start3A_297 = tpu.memref_slice %arg4[%add3A_293, %dma_start3A_295, %dma_start3A_296] : memref<16384x26x128xf32, #tpu.memory_space<hbm>> -> memref<4x26x128xf32, #tpu.memory_space<hbm>>
      %dma_start3A_298 = arith.constant 0 : i32
      %dma_start3A_299 = arith.constant 0 : i32
      %dma_start3A_300 = tpu.memref_slice %arg4[%add3A_293, %dma_start3A_298, %dma_start3A_299] : memref<16384x26x128xf32, #tpu.memory_space<hbm>> -> memref<4x26x128xf32, #tpu.memory_space<hbm>>
      %dma_start3A_301 = tpu.memref_reshape %arg6 : memref<104x128xf32, #tpu.memory_space<vmem>> -> memref<4x26x128xf32, #tpu.memory_space<vmem>>
      tpu.enqueue_dma source(%dma_start3A_301 : memref<4x26x128xf32, #tpu.memory_space<vmem>>) target(%dma_start3A_300 : memref<4x26x128xf32, #tpu.memory_space<hbm>>) target_semaphore(%arg22 : memref<!tpu.dma_semaphore, #tpu.memory_space<semaphore_mem>>)
      %mul3A_302 = arith.constant 4 : i32
      %mul3A_303 = arith.muli %add3A_284, %mul3A_302 : i32
      %add3A_304 = arith.addi %mul3A_4, %mul3A_303 : i32
      %dma_wait3A_305 = tpu.memref_reshape %arg6 : memref<104x128xf32, #tpu.memory_space<vmem>> -> memref<4x26x128xf32, #tpu.memory_space<vmem>>
      %dma_wait3A_306 = arith.constant 0 : i32
      %dma_wait3A_307 = arith.constant 0 : i32
      %dma_wait3A_308 = tpu.memref_slice %arg4[%add3A_304, %dma_wait3A_306, %dma_wait3A_307] : memref<16384x26x128xf32, #tpu.memory_space<hbm>> -> memref<4x26x128xf32, #tpu.memory_space<hbm>>
      %dma_wait3A_309 = arith.constant 0 : i32
      %dma_wait3A_310 = arith.constant 0 : i32
      %dma_wait3A_311 = tpu.memref_slice %arg4[%add3A_304, %dma_wait3A_309, %dma_wait3A_310] : memref<16384x26x128xf32, #tpu.memory_space<hbm>> -> memref<4x26x128xf32, #tpu.memory_space<hbm>>
      %dma_wait3A_312 = tpu.memref_reshape %arg6 : memref<104x128xf32, #tpu.memory_space<vmem>> -> memref<4x26x128xf32, #tpu.memory_space<vmem>>
      tpu.wait_dma2 semaphore(%arg22 : memref<!tpu.dma_semaphore, #tpu.memory_space<semaphore_mem>>) src(%dma_wait3A_312 : memref<4x26x128xf32, #tpu.memory_space<vmem>>) dst(%dma_wait3A_311 : memref<4x26x128xf32, #tpu.memory_space<hbm>>)
      %add3A_313 = arith.constant 8 : i32
      %add3A_314 = arith.addi %add3A_284, %add3A_313 : i32
      %mul3A_315 = arith.constant 104 : i32
      %mul3A_316 = arith.muli %add3A_314, %mul3A_315 : i32
      %add3A_317 = arith.constant 0 : i32
      %add3A_318 = arith.addi %mul3A_316, %add3A_317 : i32
      %dma_start3A_319 = arith.constant 0 : i32
      %dma_start3A_320 = arith.constant 0 : i32
      %dma_start3A_321 = tpu.memref_slice %arg6[%dma_start3A_319, %dma_start3A_320] : memref<104x128xf32, #tpu.memory_space<vmem>> -> memref<104x128xf32, #tpu.memory_space<vmem>>
      %dma_start3A_322 = tpu.memref_slice %arg5[%add3A_318] : memref<13312xi32, #tpu.memory_space<vmem>> -> memref<104xi32, #tpu.memory_space<vmem>>
      %dma_start3A_323 = arith.constant 0 : i32
      %dma_start3A_324 = arith.constant 0 : i32
      %dma_start3A_325 = tpu.memref_slice %arg2[%dma_start3A_323, %dma_start3A_324] : memref<26000x128xf32, #tpu.memory_space<hbm>> -> memref<26000x128xf32, #tpu.memory_space<hbm>>
      tpu.enqueue_indirect_dma source(%dma_start3A_325 : memref<26000x128xf32, #tpu.memory_space<hbm>>) target(%dma_start3A_321 : memref<104x128xf32, #tpu.memory_space<vmem>>) offsets(%dma_start3A_322 : memref<104xi32, #tpu.memory_space<vmem>>) semaphore(%arg14 : memref<!tpu.dma_semaphore, #tpu.memory_space<semaphore_mem>>)
      %add3A_326 = arith.constant 1 : i32
      %add3A_327 = arith.addi %mul3A_282, %add3A_326 : i32
      %dma_wait3A_328 = arith.constant 0 : i32
      %dma_wait3A_329 = arith.constant 0 : i32
      %dma_wait3A_330 = tpu.memref_slice %arg2[%dma_wait3A_328, %dma_wait3A_329] : memref<26000x128xf32, #tpu.memory_space<hbm>> -> memref<104x128xf32, #tpu.memory_space<hbm>>
      %dma_wait3A_331 = arith.constant 0 : i32
      %dma_wait3A_332 = arith.constant 0 : i32
      %dma_wait3A_333 = tpu.memref_slice %arg2[%dma_wait3A_331, %dma_wait3A_332] : memref<26000x128xf32, #tpu.memory_space<hbm>> -> memref<104x128xf32, #tpu.memory_space<hbm>>
      tpu.wait_dma2 semaphore(%arg15 : memref<!tpu.dma_semaphore, #tpu.memory_space<semaphore_mem>>) src(%dma_wait3A_333 : memref<104x128xf32, #tpu.memory_space<hbm>>) dst(%arg7 : memref<104x128xf32, #tpu.memory_space<vmem>>)
      %mul3A_334 = arith.constant 4 : i32
      %mul3A_335 = arith.muli %add3A_327, %mul3A_334 : i32
      %add3A_336 = arith.addi %mul3A_4, %mul3A_335 : i32
      %dma_start3A_337 = tpu.memref_reshape %arg7 : memref<104x128xf32, #tpu.memory_space<vmem>> -> memref<4x26x128xf32, #tpu.memory_space<vmem>>
      %dma_start3A_338 = arith.constant 0 : i32
      %dma_start3A_339 = arith.constant 0 : i32
      %dma_start3A_340 = tpu.memref_slice %arg4[%add3A_336, %dma_start3A_338, %dma_start3A_339] : memref<16384x26x128xf32, #tpu.memory_space<hbm>> -> memref<4x26x128xf32, #tpu.memory_space<hbm>>
      %dma_start3A_341 = arith.constant 0 : i32
      %dma_start3A_342 = arith.constant 0 : i32
      %dma_start3A_343 = tpu.memref_slice %arg4[%add3A_336, %dma_start3A_341, %dma_start3A_342] : memref<16384x26x128xf32, #tpu.memory_space<hbm>> -> memref<4x26x128xf32, #tpu.memory_space<hbm>>
      %dma_start3A_344 = tpu.memref_reshape %arg7 : memref<104x128xf32, #tpu.memory_space<vmem>> -> memref<4x26x128xf32, #tpu.memory_space<vmem>>
      tpu.enqueue_dma source(%dma_start3A_344 : memref<4x26x128xf32, #tpu.memory_space<vmem>>) target(%dma_start3A_343 : memref<4x26x128xf32, #tpu.memory_space<hbm>>) target_semaphore(%arg23 : memref<!tpu.dma_semaphore, #tpu.memory_space<semaphore_mem>>)
      %mul3A_345 = arith.constant 4 : i32
      %mul3A_346 = arith.muli %add3A_327, %mul3A_345 : i32
      %add3A_347 = arith.addi %mul3A_4, %mul3A_346 : i32
      %dma_wait3A_348 = tpu.memref_reshape %arg7 : memref<104x128xf32, #tpu.memory_space<vmem>> -> memref<4x26x128xf32, #tpu.memory_space<vmem>>
      %dma_wait3A_349 = arith.constant 0 : i32
      %dma_wait3A_350 = arith.constant 0 : i32
      %dma_wait3A_351 = tpu.memref_slice %arg4[%add3A_347, %dma_wait3A_349, %dma_wait3A_350] : memref<16384x26x128xf32, #tpu.memory_space<hbm>> -> memref<4x26x128xf32, #tpu.memory_space<hbm>>
      %dma_wait3A_352 = arith.constant 0 : i32
      %dma_wait3A_353 = arith.constant 0 : i32
      %dma_wait3A_354 = tpu.memref_slice %arg4[%add3A_347, %dma_wait3A_352, %dma_wait3A_353] : memref<16384x26x128xf32, #tpu.memory_space<hbm>> -> memref<4x26x128xf32, #tpu.memory_space<hbm>>
      %dma_wait3A_355 = tpu.memref_reshape %arg7 : memref<104x128xf32, #tpu.memory_space<vmem>> -> memref<4x26x128xf32, #tpu.memory_space<vmem>>
      tpu.wait_dma2 semaphore(%arg23 : memref<!tpu.dma_semaphore, #tpu.memory_space<semaphore_mem>>) src(%dma_wait3A_355 : memref<4x26x128xf32, #tpu.memory_space<vmem>>) dst(%dma_wait3A_354 : memref<4x26x128xf32, #tpu.memory_space<hbm>>)
      %add3A_356 = arith.constant 8 : i32
      %add3A_357 = arith.addi %add3A_327, %add3A_356 : i32
      %mul3A_358 = arith.constant 104 : i32
      %mul3A_359 = arith.muli %add3A_357, %mul3A_358 : i32
      %add3A_360 = arith.constant 0 : i32
      %add3A_361 = arith.addi %mul3A_359, %add3A_360 : i32
      %dma_start3A_362 = arith.constant 0 : i32
      %dma_start3A_363 = arith.constant 0 : i32
      %dma_start3A_364 = tpu.memref_slice %arg7[%dma_start3A_362, %dma_start3A_363] : memref<104x128xf32, #tpu.memory_space<vmem>> -> memref<104x128xf32, #tpu.memory_space<vmem>>
      %dma_start3A_365 = tpu.memref_slice %arg5[%add3A_361] : memref<13312xi32, #tpu.memory_space<vmem>> -> memref<104xi32, #tpu.memory_space<vmem>>
      %dma_start3A_366 = arith.constant 0 : i32
      %dma_start3A_367 = arith.constant 0 : i32
      %dma_start3A_368 = tpu.memref_slice %arg2[%dma_start3A_366, %dma_start3A_367] : memref<26000x128xf32, #tpu.memory_space<hbm>> -> memref<26000x128xf32, #tpu.memory_space<hbm>>
      tpu.enqueue_indirect_dma source(%dma_start3A_368 : memref<26000x128xf32, #tpu.memory_space<hbm>>) target(%dma_start3A_364 : memref<104x128xf32, #tpu.memory_space<vmem>>) offsets(%dma_start3A_365 : memref<104xi32, #tpu.memory_space<vmem>>) semaphore(%arg15 : memref<!tpu.dma_semaphore, #tpu.memory_space<semaphore_mem>>)
      %add3A_369 = arith.constant 2 : i32
      %add3A_370 = arith.addi %mul3A_282, %add3A_369 : i32
      %dma_wait3A_371 = arith.constant 0 : i32
      %dma_wait3A_372 = arith.constant 0 : i32
      %dma_wait3A_373 = tpu.memref_slice %arg2[%dma_wait3A_371, %dma_wait3A_372] : memref<26000x128xf32, #tpu.memory_space<hbm>> -> memref<104x128xf32, #tpu.memory_space<hbm>>
      %dma_wait3A_374 = arith.constant 0 : i32
      %dma_wait3A_375 = arith.constant 0 : i32
      %dma_wait3A_376 = tpu.memref_slice %arg2[%dma_wait3A_374, %dma_wait3A_375] : memref<26000x128xf32, #tpu.memory_space<hbm>> -> memref<104x128xf32, #tpu.memory_space<hbm>>
      tpu.wait_dma2 semaphore(%arg16 : memref<!tpu.dma_semaphore, #tpu.memory_space<semaphore_mem>>) src(%dma_wait3A_376 : memref<104x128xf32, #tpu.memory_space<hbm>>) dst(%arg8 : memref<104x128xf32, #tpu.memory_space<vmem>>)
      %mul3A_377 = arith.constant 4 : i32
      %mul3A_378 = arith.muli %add3A_370, %mul3A_377 : i32
      %add3A_379 = arith.addi %mul3A_4, %mul3A_378 : i32
      %dma_start3A_380 = tpu.memref_reshape %arg8 : memref<104x128xf32, #tpu.memory_space<vmem>> -> memref<4x26x128xf32, #tpu.memory_space<vmem>>
      %dma_start3A_381 = arith.constant 0 : i32
      %dma_start3A_382 = arith.constant 0 : i32
      %dma_start3A_383 = tpu.memref_slice %arg4[%add3A_379, %dma_start3A_381, %dma_start3A_382] : memref<16384x26x128xf32, #tpu.memory_space<hbm>> -> memref<4x26x128xf32, #tpu.memory_space<hbm>>
      %dma_start3A_384 = arith.constant 0 : i32
      %dma_start3A_385 = arith.constant 0 : i32
      %dma_start3A_386 = tpu.memref_slice %arg4[%add3A_379, %dma_start3A_384, %dma_start3A_385] : memref<16384x26x128xf32, #tpu.memory_space<hbm>> -> memref<4x26x128xf32, #tpu.memory_space<hbm>>
      %dma_start3A_387 = tpu.memref_reshape %arg8 : memref<104x128xf32, #tpu.memory_space<vmem>> -> memref<4x26x128xf32, #tpu.memory_space<vmem>>
      tpu.enqueue_dma source(%dma_start3A_387 : memref<4x26x128xf32, #tpu.memory_space<vmem>>) target(%dma_start3A_386 : memref<4x26x128xf32, #tpu.memory_space<hbm>>) target_semaphore(%arg24 : memref<!tpu.dma_semaphore, #tpu.memory_space<semaphore_mem>>)
      %mul3A_388 = arith.constant 4 : i32
      %mul3A_389 = arith.muli %add3A_370, %mul3A_388 : i32
      %add3A_390 = arith.addi %mul3A_4, %mul3A_389 : i32
      %dma_wait3A_391 = tpu.memref_reshape %arg8 : memref<104x128xf32, #tpu.memory_space<vmem>> -> memref<4x26x128xf32, #tpu.memory_space<vmem>>
      %dma_wait3A_392 = arith.constant 0 : i32
      %dma_wait3A_393 = arith.constant 0 : i32
      %dma_wait3A_394 = tpu.memref_slice %arg4[%add3A_390, %dma_wait3A_392, %dma_wait3A_393] : memref<16384x26x128xf32, #tpu.memory_space<hbm>> -> memref<4x26x128xf32, #tpu.memory_space<hbm>>
      %dma_wait3A_395 = arith.constant 0 : i32
      %dma_wait3A_396 = arith.constant 0 : i32
      %dma_wait3A_397 = tpu.memref_slice %arg4[%add3A_390, %dma_wait3A_395, %dma_wait3A_396] : memref<16384x26x128xf32, #tpu.memory_space<hbm>> -> memref<4x26x128xf32, #tpu.memory_space<hbm>>
      %dma_wait3A_398 = tpu.memref_reshape %arg8 : memref<104x128xf32, #tpu.memory_space<vmem>> -> memref<4x26x128xf32, #tpu.memory_space<vmem>>
      tpu.wait_dma2 semaphore(%arg24 : memref<!tpu.dma_semaphore, #tpu.memory_space<semaphore_mem>>) src(%dma_wait3A_398 : memref<4x26x128xf32, #tpu.memory_space<vmem>>) dst(%dma_wait3A_397 : memref<4x26x128xf32, #tpu.memory_space<hbm>>)
      %add3A_399 = arith.constant 8 : i32
      %add3A_400 = arith.addi %add3A_370, %add3A_399 : i32
      %mul3A_401 = arith.constant 104 : i32
      %mul3A_402 = arith.muli %add3A_400, %mul3A_401 : i32
      %add3A_403 = arith.constant 0 : i32
      %add3A_404 = arith.addi %mul3A_402, %add3A_403 : i32
      %dma_start3A_405 = arith.constant 0 : i32
      %dma_start3A_406 = arith.constant 0 : i32
      %dma_start3A_407 = tpu.memref_slice %arg8[%dma_start3A_405, %dma_start3A_406] : memref<104x128xf32, #tpu.memory_space<vmem>> -> memref<104x128xf32, #tpu.memory_space<vmem>>
      %dma_start3A_408 = tpu.memref_slice %arg5[%add3A_404] : memref<13312xi32, #tpu.memory_space<vmem>> -> memref<104xi32, #tpu.memory_space<vmem>>
      %dma_start3A_409 = arith.constant 0 : i32
      %dma_start3A_410 = arith.constant 0 : i32
      %dma_start3A_411 = tpu.memref_slice %arg2[%dma_start3A_409, %dma_start3A_410] : memref<26000x128xf32, #tpu.memory_space<hbm>> -> memref<26000x128xf32, #tpu.memory_space<hbm>>
      tpu.enqueue_indirect_dma source(%dma_start3A_411 : memref<26000x128xf32, #tpu.memory_space<hbm>>) target(%dma_start3A_407 : memref<104x128xf32, #tpu.memory_space<vmem>>) offsets(%dma_start3A_408 : memref<104xi32, #tpu.memory_space<vmem>>) semaphore(%arg16 : memref<!tpu.dma_semaphore, #tpu.memory_space<semaphore_mem>>)
      %add3A_412 = arith.constant 3 : i32
      %add3A_413 = arith.addi %mul3A_282, %add3A_412 : i32
      %dma_wait3A_414 = arith.constant 0 : i32
      %dma_wait3A_415 = arith.constant 0 : i32
      %dma_wait3A_416 = tpu.memref_slice %arg2[%dma_wait3A_414, %dma_wait3A_415] : memref<26000x128xf32, #tpu.memory_space<hbm>> -> memref<104x128xf32, #tpu.memory_space<hbm>>
      %dma_wait3A_417 = arith.constant 0 : i32
      %dma_wait3A_418 = arith.constant 0 : i32
      %dma_wait3A_419 = tpu.memref_slice %arg2[%dma_wait3A_417, %dma_wait3A_418] : memref<26000x128xf32, #tpu.memory_space<hbm>> -> memref<104x128xf32, #tpu.memory_space<hbm>>
      tpu.wait_dma2 semaphore(%arg17 : memref<!tpu.dma_semaphore, #tpu.memory_space<semaphore_mem>>) src(%dma_wait3A_419 : memref<104x128xf32, #tpu.memory_space<hbm>>) dst(%arg9 : memref<104x128xf32, #tpu.memory_space<vmem>>)
      %mul3A_420 = arith.constant 4 : i32
      %mul3A_421 = arith.muli %add3A_413, %mul3A_420 : i32
      %add3A_422 = arith.addi %mul3A_4, %mul3A_421 : i32
      %dma_start3A_423 = tpu.memref_reshape %arg9 : memref<104x128xf32, #tpu.memory_space<vmem>> -> memref<4x26x128xf32, #tpu.memory_space<vmem>>
      %dma_start3A_424 = arith.constant 0 : i32
      %dma_start3A_425 = arith.constant 0 : i32
      %dma_start3A_426 = tpu.memref_slice %arg4[%add3A_422, %dma_start3A_424, %dma_start3A_425] : memref<16384x26x128xf32, #tpu.memory_space<hbm>> -> memref<4x26x128xf32, #tpu.memory_space<hbm>>
      %dma_start3A_427 = arith.constant 0 : i32
      %dma_start3A_428 = arith.constant 0 : i32
      %dma_start3A_429 = tpu.memref_slice %arg4[%add3A_422, %dma_start3A_427, %dma_start3A_428] : memref<16384x26x128xf32, #tpu.memory_space<hbm>> -> memref<4x26x128xf32, #tpu.memory_space<hbm>>
      %dma_start3A_430 = tpu.memref_reshape %arg9 : memref<104x128xf32, #tpu.memory_space<vmem>> -> memref<4x26x128xf32, #tpu.memory_space<vmem>>
      tpu.enqueue_dma source(%dma_start3A_430 : memref<4x26x128xf32, #tpu.memory_space<vmem>>) target(%dma_start3A_429 : memref<4x26x128xf32, #tpu.memory_space<hbm>>) target_semaphore(%arg25 : memref<!tpu.dma_semaphore, #tpu.memory_space<semaphore_mem>>)
      %mul3A_431 = arith.constant 4 : i32
      %mul3A_432 = arith.muli %add3A_413, %mul3A_431 : i32
      %add3A_433 = arith.addi %mul3A_4, %mul3A_432 : i32
      %dma_wait3A_434 = tpu.memref_reshape %arg9 : memref<104x128xf32, #tpu.memory_space<vmem>> -> memref<4x26x128xf32, #tpu.memory_space<vmem>>
      %dma_wait3A_435 = arith.constant 0 : i32
      %dma_wait3A_436 = arith.constant 0 : i32
      %dma_wait3A_437 = tpu.memref_slice %arg4[%add3A_433, %dma_wait3A_435, %dma_wait3A_436] : memref<16384x26x128xf32, #tpu.memory_space<hbm>> -> memref<4x26x128xf32, #tpu.memory_space<hbm>>
      %dma_wait3A_438 = arith.constant 0 : i32
      %dma_wait3A_439 = arith.constant 0 : i32
      %dma_wait3A_440 = tpu.memref_slice %arg4[%add3A_433, %dma_wait3A_438, %dma_wait3A_439] : memref<16384x26x128xf32, #tpu.memory_space<hbm>> -> memref<4x26x128xf32, #tpu.memory_space<hbm>>
      %dma_wait3A_441 = tpu.memref_reshape %arg9 : memref<104x128xf32, #tpu.memory_space<vmem>> -> memref<4x26x128xf32, #tpu.memory_space<vmem>>
      tpu.wait_dma2 semaphore(%arg25 : memref<!tpu.dma_semaphore, #tpu.memory_space<semaphore_mem>>) src(%dma_wait3A_441 : memref<4x26x128xf32, #tpu.memory_space<vmem>>) dst(%dma_wait3A_440 : memref<4x26x128xf32, #tpu.memory_space<hbm>>)
      %add3A_442 = arith.constant 8 : i32
      %add3A_443 = arith.addi %add3A_413, %add3A_442 : i32
      %mul3A_444 = arith.constant 104 : i32
      %mul3A_445 = arith.muli %add3A_443, %mul3A_444 : i32
      %add3A_446 = arith.constant 0 : i32
      %add3A_447 = arith.addi %mul3A_445, %add3A_446 : i32
      %dma_start3A_448 = arith.constant 0 : i32
      %dma_start3A_449 = arith.constant 0 : i32
      %dma_start3A_450 = tpu.memref_slice %arg9[%dma_start3A_448, %dma_start3A_449] : memref<104x128xf32, #tpu.memory_space<vmem>> -> memref<104x128xf32, #tpu.memory_space<vmem>>
      %dma_start3A_451 = tpu.memref_slice %arg5[%add3A_447] : memref<13312xi32, #tpu.memory_space<vmem>> -> memref<104xi32, #tpu.memory_space<vmem>>
      %dma_start3A_452 = arith.constant 0 : i32
      %dma_start3A_453 = arith.constant 0 : i32
      %dma_start3A_454 = tpu.memref_slice %arg2[%dma_start3A_452, %dma_start3A_453] : memref<26000x128xf32, #tpu.memory_space<hbm>> -> memref<26000x128xf32, #tpu.memory_space<hbm>>
      tpu.enqueue_indirect_dma source(%dma_start3A_454 : memref<26000x128xf32, #tpu.memory_space<hbm>>) target(%dma_start3A_450 : memref<104x128xf32, #tpu.memory_space<vmem>>) offsets(%dma_start3A_451 : memref<104xi32, #tpu.memory_space<vmem>>) semaphore(%arg17 : memref<!tpu.dma_semaphore, #tpu.memory_space<semaphore_mem>>)
      %add3A_455 = arith.constant 4 : i32
      %add3A_456 = arith.addi %mul3A_282, %add3A_455 : i32
      %dma_wait3A_457 = arith.constant 0 : i32
      %dma_wait3A_458 = arith.constant 0 : i32
      %dma_wait3A_459 = tpu.memref_slice %arg2[%dma_wait3A_457, %dma_wait3A_458] : memref<26000x128xf32, #tpu.memory_space<hbm>> -> memref<104x128xf32, #tpu.memory_space<hbm>>
      %dma_wait3A_460 = arith.constant 0 : i32
      %dma_wait3A_461 = arith.constant 0 : i32
      %dma_wait3A_462 = tpu.memref_slice %arg2[%dma_wait3A_460, %dma_wait3A_461] : memref<26000x128xf32, #tpu.memory_space<hbm>> -> memref<104x128xf32, #tpu.memory_space<hbm>>
      tpu.wait_dma2 semaphore(%arg18 : memref<!tpu.dma_semaphore, #tpu.memory_space<semaphore_mem>>) src(%dma_wait3A_462 : memref<104x128xf32, #tpu.memory_space<hbm>>) dst(%arg10 : memref<104x128xf32, #tpu.memory_space<vmem>>)
      %mul3A_463 = arith.constant 4 : i32
      %mul3A_464 = arith.muli %add3A_456, %mul3A_463 : i32
      %add3A_465 = arith.addi %mul3A_4, %mul3A_464 : i32
      %dma_start3A_466 = tpu.memref_reshape %arg10 : memref<104x128xf32, #tpu.memory_space<vmem>> -> memref<4x26x128xf32, #tpu.memory_space<vmem>>
      %dma_start3A_467 = arith.constant 0 : i32
      %dma_start3A_468 = arith.constant 0 : i32
      %dma_start3A_469 = tpu.memref_slice %arg4[%add3A_465, %dma_start3A_467, %dma_start3A_468] : memref<16384x26x128xf32, #tpu.memory_space<hbm>> -> memref<4x26x128xf32, #tpu.memory_space<hbm>>
      %dma_start3A_470 = arith.constant 0 : i32
      %dma_start3A_471 = arith.constant 0 : i32
      %dma_start3A_472 = tpu.memref_slice %arg4[%add3A_465, %dma_start3A_470, %dma_start3A_471] : memref<16384x26x128xf32, #tpu.memory_space<hbm>> -> memref<4x26x128xf32, #tpu.memory_space<hbm>>
      %dma_start3A_473 = tpu.memref_reshape %arg10 : memref<104x128xf32, #tpu.memory_space<vmem>> -> memref<4x26x128xf32, #tpu.memory_space<vmem>>
      tpu.enqueue_dma source(%dma_start3A_473 : memref<4x26x128xf32, #tpu.memory_space<vmem>>) target(%dma_start3A_472 : memref<4x26x128xf32, #tpu.memory_space<hbm>>) target_semaphore(%arg26 : memref<!tpu.dma_semaphore, #tpu.memory_space<semaphore_mem>>)
      %mul3A_474 = arith.constant 4 : i32
      %mul3A_475 = arith.muli %add3A_456, %mul3A_474 : i32
      %add3A_476 = arith.addi %mul3A_4, %mul3A_475 : i32
      %dma_wait3A_477 = tpu.memref_reshape %arg10 : memref<104x128xf32, #tpu.memory_space<vmem>> -> memref<4x26x128xf32, #tpu.memory_space<vmem>>
      %dma_wait3A_478 = arith.constant 0 : i32
      %dma_wait3A_479 = arith.constant 0 : i32
      %dma_wait3A_480 = tpu.memref_slice %arg4[%add3A_476, %dma_wait3A_478, %dma_wait3A_479] : memref<16384x26x128xf32, #tpu.memory_space<hbm>> -> memref<4x26x128xf32, #tpu.memory_space<hbm>>
      %dma_wait3A_481 = arith.constant 0 : i32
      %dma_wait3A_482 = arith.constant 0 : i32
      %dma_wait3A_483 = tpu.memref_slice %arg4[%add3A_476, %dma_wait3A_481, %dma_wait3A_482] : memref<16384x26x128xf32, #tpu.memory_space<hbm>> -> memref<4x26x128xf32, #tpu.memory_space<hbm>>
      %dma_wait3A_484 = tpu.memref_reshape %arg10 : memref<104x128xf32, #tpu.memory_space<vmem>> -> memref<4x26x128xf32, #tpu.memory_space<vmem>>
      tpu.wait_dma2 semaphore(%arg26 : memref<!tpu.dma_semaphore, #tpu.memory_space<semaphore_mem>>) src(%dma_wait3A_484 : memref<4x26x128xf32, #tpu.memory_space<vmem>>) dst(%dma_wait3A_483 : memref<4x26x128xf32, #tpu.memory_space<hbm>>)
      %add3A_485 = arith.constant 8 : i32
      %add3A_486 = arith.addi %add3A_456, %add3A_485 : i32
      %mul3A_487 = arith.constant 104 : i32
      %mul3A_488 = arith.muli %add3A_486, %mul3A_487 : i32
      %add3A_489 = arith.constant 0 : i32
      %add3A_490 = arith.addi %mul3A_488, %add3A_489 : i32
      %dma_start3A_491 = arith.constant 0 : i32
      %dma_start3A_492 = arith.constant 0 : i32
      %dma_start3A_493 = tpu.memref_slice %arg10[%dma_start3A_491, %dma_start3A_492] : memref<104x128xf32, #tpu.memory_space<vmem>> -> memref<104x128xf32, #tpu.memory_space<vmem>>
      %dma_start3A_494 = tpu.memref_slice %arg5[%add3A_490] : memref<13312xi32, #tpu.memory_space<vmem>> -> memref<104xi32, #tpu.memory_space<vmem>>
      %dma_start3A_495 = arith.constant 0 : i32
      %dma_start3A_496 = arith.constant 0 : i32
      %dma_start3A_497 = tpu.memref_slice %arg2[%dma_start3A_495, %dma_start3A_496] : memref<26000x128xf32, #tpu.memory_space<hbm>> -> memref<26000x128xf32, #tpu.memory_space<hbm>>
      tpu.enqueue_indirect_dma source(%dma_start3A_497 : memref<26000x128xf32, #tpu.memory_space<hbm>>) target(%dma_start3A_493 : memref<104x128xf32, #tpu.memory_space<vmem>>) offsets(%dma_start3A_494 : memref<104xi32, #tpu.memory_space<vmem>>) semaphore(%arg18 : memref<!tpu.dma_semaphore, #tpu.memory_space<semaphore_mem>>)
      %add3A_498 = arith.constant 5 : i32
      %add3A_499 = arith.addi %mul3A_282, %add3A_498 : i32
      %dma_wait3A_500 = arith.constant 0 : i32
      %dma_wait3A_501 = arith.constant 0 : i32
      %dma_wait3A_502 = tpu.memref_slice %arg2[%dma_wait3A_500, %dma_wait3A_501] : memref<26000x128xf32, #tpu.memory_space<hbm>> -> memref<104x128xf32, #tpu.memory_space<hbm>>
      %dma_wait3A_503 = arith.constant 0 : i32
      %dma_wait3A_504 = arith.constant 0 : i32
      %dma_wait3A_505 = tpu.memref_slice %arg2[%dma_wait3A_503, %dma_wait3A_504] : memref<26000x128xf32, #tpu.memory_space<hbm>> -> memref<104x128xf32, #tpu.memory_space<hbm>>
      tpu.wait_dma2 semaphore(%arg19 : memref<!tpu.dma_semaphore, #tpu.memory_space<semaphore_mem>>) src(%dma_wait3A_505 : memref<104x128xf32, #tpu.memory_space<hbm>>) dst(%arg11 : memref<104x128xf32, #tpu.memory_space<vmem>>)
      %mul3A_506 = arith.constant 4 : i32
      %mul3A_507 = arith.muli %add3A_499, %mul3A_506 : i32
      %add3A_508 = arith.addi %mul3A_4, %mul3A_507 : i32
      %dma_start3A_509 = tpu.memref_reshape %arg11 : memref<104x128xf32, #tpu.memory_space<vmem>> -> memref<4x26x128xf32, #tpu.memory_space<vmem>>
      %dma_start3A_510 = arith.constant 0 : i32
      %dma_start3A_511 = arith.constant 0 : i32
      %dma_start3A_512 = tpu.memref_slice %arg4[%add3A_508, %dma_start3A_510, %dma_start3A_511] : memref<16384x26x128xf32, #tpu.memory_space<hbm>> -> memref<4x26x128xf32, #tpu.memory_space<hbm>>
      %dma_start3A_513 = arith.constant 0 : i32
      %dma_start3A_514 = arith.constant 0 : i32
      %dma_start3A_515 = tpu.memref_slice %arg4[%add3A_508, %dma_start3A_513, %dma_start3A_514] : memref<16384x26x128xf32, #tpu.memory_space<hbm>> -> memref<4x26x128xf32, #tpu.memory_space<hbm>>
      %dma_start3A_516 = tpu.memref_reshape %arg11 : memref<104x128xf32, #tpu.memory_space<vmem>> -> memref<4x26x128xf32, #tpu.memory_space<vmem>>
      tpu.enqueue_dma source(%dma_start3A_516 : memref<4x26x128xf32, #tpu.memory_space<vmem>>) target(%dma_start3A_515 : memref<4x26x128xf32, #tpu.memory_space<hbm>>) target_semaphore(%arg27 : memref<!tpu.dma_semaphore, #tpu.memory_space<semaphore_mem>>)
      %mul3A_517 = arith.constant 4 : i32
      %mul3A_518 = arith.muli %add3A_499, %mul3A_517 : i32
      %add3A_519 = arith.addi %mul3A_4, %mul3A_518 : i32
      %dma_wait3A_520 = tpu.memref_reshape %arg11 : memref<104x128xf32, #tpu.memory_space<vmem>> -> memref<4x26x128xf32, #tpu.memory_space<vmem>>
      %dma_wait3A_521 = arith.constant 0 : i32
      %dma_wait3A_522 = arith.constant 0 : i32
      %dma_wait3A_523 = tpu.memref_slice %arg4[%add3A_519, %dma_wait3A_521, %dma_wait3A_522] : memref<16384x26x128xf32, #tpu.memory_space<hbm>> -> memref<4x26x128xf32, #tpu.memory_space<hbm>>
      %dma_wait3A_524 = arith.constant 0 : i32
      %dma_wait3A_525 = arith.constant 0 : i32
      %dma_wait3A_526 = tpu.memref_slice %arg4[%add3A_519, %dma_wait3A_524, %dma_wait3A_525] : memref<16384x26x128xf32, #tpu.memory_space<hbm>> -> memref<4x26x128xf32, #tpu.memory_space<hbm>>
      %dma_wait3A_527 = tpu.memref_reshape %arg11 : memref<104x128xf32, #tpu.memory_space<vmem>> -> memref<4x26x128xf32, #tpu.memory_space<vmem>>
      tpu.wait_dma2 semaphore(%arg27 : memref<!tpu.dma_semaphore, #tpu.memory_space<semaphore_mem>>) src(%dma_wait3A_527 : memref<4x26x128xf32, #tpu.memory_space<vmem>>) dst(%dma_wait3A_526 : memref<4x26x128xf32, #tpu.memory_space<hbm>>)
      %add3A_528 = arith.constant 8 : i32
      %add3A_529 = arith.addi %add3A_499, %add3A_528 : i32
      %mul3A_530 = arith.constant 104 : i32
      %mul3A_531 = arith.muli %add3A_529, %mul3A_530 : i32
      %add3A_532 = arith.constant 0 : i32
      %add3A_533 = arith.addi %mul3A_531, %add3A_532 : i32
      %dma_start3A_534 = arith.constant 0 : i32
      %dma_start3A_535 = arith.constant 0 : i32
      %dma_start3A_536 = tpu.memref_slice %arg11[%dma_start3A_534, %dma_start3A_535] : memref<104x128xf32, #tpu.memory_space<vmem>> -> memref<104x128xf32, #tpu.memory_space<vmem>>
      %dma_start3A_537 = tpu.memref_slice %arg5[%add3A_533] : memref<13312xi32, #tpu.memory_space<vmem>> -> memref<104xi32, #tpu.memory_space<vmem>>
      %dma_start3A_538 = arith.constant 0 : i32
      %dma_start3A_539 = arith.constant 0 : i32
      %dma_start3A_540 = tpu.memref_slice %arg2[%dma_start3A_538, %dma_start3A_539] : memref<26000x128xf32, #tpu.memory_space<hbm>> -> memref<26000x128xf32, #tpu.memory_space<hbm>>
      tpu.enqueue_indirect_dma source(%dma_start3A_540 : memref<26000x128xf32, #tpu.memory_space<hbm>>) target(%dma_start3A_536 : memref<104x128xf32, #tpu.memory_space<vmem>>) offsets(%dma_start3A_537 : memref<104xi32, #tpu.memory_space<vmem>>) semaphore(%arg19 : memref<!tpu.dma_semaphore, #tpu.memory_space<semaphore_mem>>)
      %add3A_541 = arith.constant 6 : i32
      %add3A_542 = arith.addi %mul3A_282, %add3A_541 : i32
      %dma_wait3A_543 = arith.constant 0 : i32
      %dma_wait3A_544 = arith.constant 0 : i32
      %dma_wait3A_545 = tpu.memref_slice %arg2[%dma_wait3A_543, %dma_wait3A_544] : memref<26000x128xf32, #tpu.memory_space<hbm>> -> memref<104x128xf32, #tpu.memory_space<hbm>>
      %dma_wait3A_546 = arith.constant 0 : i32
      %dma_wait3A_547 = arith.constant 0 : i32
      %dma_wait3A_548 = tpu.memref_slice %arg2[%dma_wait3A_546, %dma_wait3A_547] : memref<26000x128xf32, #tpu.memory_space<hbm>> -> memref<104x128xf32, #tpu.memory_space<hbm>>
      tpu.wait_dma2 semaphore(%arg20 : memref<!tpu.dma_semaphore, #tpu.memory_space<semaphore_mem>>) src(%dma_wait3A_548 : memref<104x128xf32, #tpu.memory_space<hbm>>) dst(%arg12 : memref<104x128xf32, #tpu.memory_space<vmem>>)
      %mul3A_549 = arith.constant 4 : i32
      %mul3A_550 = arith.muli %add3A_542, %mul3A_549 : i32
      %add3A_551 = arith.addi %mul3A_4, %mul3A_550 : i32
      %dma_start3A_552 = tpu.memref_reshape %arg12 : memref<104x128xf32, #tpu.memory_space<vmem>> -> memref<4x26x128xf32, #tpu.memory_space<vmem>>
      %dma_start3A_553 = arith.constant 0 : i32
      %dma_start3A_554 = arith.constant 0 : i32
      %dma_start3A_555 = tpu.memref_slice %arg4[%add3A_551, %dma_start3A_553, %dma_start3A_554] : memref<16384x26x128xf32, #tpu.memory_space<hbm>> -> memref<4x26x128xf32, #tpu.memory_space<hbm>>
      %dma_start3A_556 = arith.constant 0 : i32
      %dma_start3A_557 = arith.constant 0 : i32
      %dma_start3A_558 = tpu.memref_slice %arg4[%add3A_551, %dma_start3A_556, %dma_start3A_557] : memref<16384x26x128xf32, #tpu.memory_space<hbm>> -> memref<4x26x128xf32, #tpu.memory_space<hbm>>
      %dma_start3A_559 = tpu.memref_reshape %arg12 : memref<104x128xf32, #tpu.memory_space<vmem>> -> memref<4x26x128xf32, #tpu.memory_space<vmem>>
      tpu.enqueue_dma source(%dma_start3A_559 : memref<4x26x128xf32, #tpu.memory_space<vmem>>) target(%dma_start3A_558 : memref<4x26x128xf32, #tpu.memory_space<hbm>>) target_semaphore(%arg28 : memref<!tpu.dma_semaphore, #tpu.memory_space<semaphore_mem>>)
      %mul3A_560 = arith.constant 4 : i32
      %mul3A_561 = arith.muli %add3A_542, %mul3A_560 : i32
      %add3A_562 = arith.addi %mul3A_4, %mul3A_561 : i32
      %dma_wait3A_563 = tpu.memref_reshape %arg12 : memref<104x128xf32, #tpu.memory_space<vmem>> -> memref<4x26x128xf32, #tpu.memory_space<vmem>>
      %dma_wait3A_564 = arith.constant 0 : i32
      %dma_wait3A_565 = arith.constant 0 : i32
      %dma_wait3A_566 = tpu.memref_slice %arg4[%add3A_562, %dma_wait3A_564, %dma_wait3A_565] : memref<16384x26x128xf32, #tpu.memory_space<hbm>> -> memref<4x26x128xf32, #tpu.memory_space<hbm>>
      %dma_wait3A_567 = arith.constant 0 : i32
      %dma_wait3A_568 = arith.constant 0 : i32
      %dma_wait3A_569 = tpu.memref_slice %arg4[%add3A_562, %dma_wait3A_567, %dma_wait3A_568] : memref<16384x26x128xf32, #tpu.memory_space<hbm>> -> memref<4x26x128xf32, #tpu.memory_space<hbm>>
      %dma_wait3A_570 = tpu.memref_reshape %arg12 : memref<104x128xf32, #tpu.memory_space<vmem>> -> memref<4x26x128xf32, #tpu.memory_space<vmem>>
      tpu.wait_dma2 semaphore(%arg28 : memref<!tpu.dma_semaphore, #tpu.memory_space<semaphore_mem>>) src(%dma_wait3A_570 : memref<4x26x128xf32, #tpu.memory_space<vmem>>) dst(%dma_wait3A_569 : memref<4x26x128xf32, #tpu.memory_space<hbm>>)
      %add3A_571 = arith.constant 8 : i32
      %add3A_572 = arith.addi %add3A_542, %add3A_571 : i32
      %mul3A_573 = arith.constant 104 : i32
      %mul3A_574 = arith.muli %add3A_572, %mul3A_573 : i32
      %add3A_575 = arith.constant 0 : i32
      %add3A_576 = arith.addi %mul3A_574, %add3A_575 : i32
      %dma_start3A_577 = arith.constant 0 : i32
      %dma_start3A_578 = arith.constant 0 : i32
      %dma_start3A_579 = tpu.memref_slice %arg12[%dma_start3A_577, %dma_start3A_578] : memref<104x128xf32, #tpu.memory_space<vmem>> -> memref<104x128xf32, #tpu.memory_space<vmem>>
      %dma_start3A_580 = tpu.memref_slice %arg5[%add3A_576] : memref<13312xi32, #tpu.memory_space<vmem>> -> memref<104xi32, #tpu.memory_space<vmem>>
      %dma_start3A_581 = arith.constant 0 : i32
      %dma_start3A_582 = arith.constant 0 : i32
      %dma_start3A_583 = tpu.memref_slice %arg2[%dma_start3A_581, %dma_start3A_582] : memref<26000x128xf32, #tpu.memory_space<hbm>> -> memref<26000x128xf32, #tpu.memory_space<hbm>>
      tpu.enqueue_indirect_dma source(%dma_start3A_583 : memref<26000x128xf32, #tpu.memory_space<hbm>>) target(%dma_start3A_579 : memref<104x128xf32, #tpu.memory_space<vmem>>) offsets(%dma_start3A_580 : memref<104xi32, #tpu.memory_space<vmem>>) semaphore(%arg20 : memref<!tpu.dma_semaphore, #tpu.memory_space<semaphore_mem>>)
      %add3A_584 = arith.constant 7 : i32
      %add3A_585 = arith.addi %mul3A_282, %add3A_584 : i32
      %dma_wait3A_586 = arith.constant 0 : i32
      %dma_wait3A_587 = arith.constant 0 : i32
      %dma_wait3A_588 = tpu.memref_slice %arg2[%dma_wait3A_586, %dma_wait3A_587] : memref<26000x128xf32, #tpu.memory_space<hbm>> -> memref<104x128xf32, #tpu.memory_space<hbm>>
      %dma_wait3A_589 = arith.constant 0 : i32
      %dma_wait3A_590 = arith.constant 0 : i32
      %dma_wait3A_591 = tpu.memref_slice %arg2[%dma_wait3A_589, %dma_wait3A_590] : memref<26000x128xf32, #tpu.memory_space<hbm>> -> memref<104x128xf32, #tpu.memory_space<hbm>>
      tpu.wait_dma2 semaphore(%arg21 : memref<!tpu.dma_semaphore, #tpu.memory_space<semaphore_mem>>) src(%dma_wait3A_591 : memref<104x128xf32, #tpu.memory_space<hbm>>) dst(%arg13 : memref<104x128xf32, #tpu.memory_space<vmem>>)
      %mul3A_592 = arith.constant 4 : i32
      %mul3A_593 = arith.muli %add3A_585, %mul3A_592 : i32
      %add3A_594 = arith.addi %mul3A_4, %mul3A_593 : i32
      %dma_start3A_595 = tpu.memref_reshape %arg13 : memref<104x128xf32, #tpu.memory_space<vmem>> -> memref<4x26x128xf32, #tpu.memory_space<vmem>>
      %dma_start3A_596 = arith.constant 0 : i32
      %dma_start3A_597 = arith.constant 0 : i32
      %dma_start3A_598 = tpu.memref_slice %arg4[%add3A_594, %dma_start3A_596, %dma_start3A_597] : memref<16384x26x128xf32, #tpu.memory_space<hbm>> -> memref<4x26x128xf32, #tpu.memory_space<hbm>>
      %dma_start3A_599 = arith.constant 0 : i32
      %dma_start3A_600 = arith.constant 0 : i32
      %dma_start3A_601 = tpu.memref_slice %arg4[%add3A_594, %dma_start3A_599, %dma_start3A_600] : memref<16384x26x128xf32, #tpu.memory_space<hbm>> -> memref<4x26x128xf32, #tpu.memory_space<hbm>>
      %dma_start3A_602 = tpu.memref_reshape %arg13 : memref<104x128xf32, #tpu.memory_space<vmem>> -> memref<4x26x128xf32, #tpu.memory_space<vmem>>
      tpu.enqueue_dma source(%dma_start3A_602 : memref<4x26x128xf32, #tpu.memory_space<vmem>>) target(%dma_start3A_601 : memref<4x26x128xf32, #tpu.memory_space<hbm>>) target_semaphore(%arg29 : memref<!tpu.dma_semaphore, #tpu.memory_space<semaphore_mem>>)
      %mul3A_603 = arith.constant 4 : i32
      %mul3A_604 = arith.muli %add3A_585, %mul3A_603 : i32
      %add3A_605 = arith.addi %mul3A_4, %mul3A_604 : i32
      %dma_wait3A_606 = tpu.memref_reshape %arg13 : memref<104x128xf32, #tpu.memory_space<vmem>> -> memref<4x26x128xf32, #tpu.memory_space<vmem>>
      %dma_wait3A_607 = arith.constant 0 : i32
      %dma_wait3A_608 = arith.constant 0 : i32
      %dma_wait3A_609 = tpu.memref_slice %arg4[%add3A_605, %dma_wait3A_607, %dma_wait3A_608] : memref<16384x26x128xf32, #tpu.memory_space<hbm>> -> memref<4x26x128xf32, #tpu.memory_space<hbm>>
      %dma_wait3A_610 = arith.constant 0 : i32
      %dma_wait3A_611 = arith.constant 0 : i32
      %dma_wait3A_612 = tpu.memref_slice %arg4[%add3A_605, %dma_wait3A_610, %dma_wait3A_611] : memref<16384x26x128xf32, #tpu.memory_space<hbm>> -> memref<4x26x128xf32, #tpu.memory_space<hbm>>
      %dma_wait3A_613 = tpu.memref_reshape %arg13 : memref<104x128xf32, #tpu.memory_space<vmem>> -> memref<4x26x128xf32, #tpu.memory_space<vmem>>
      tpu.wait_dma2 semaphore(%arg29 : memref<!tpu.dma_semaphore, #tpu.memory_space<semaphore_mem>>) src(%dma_wait3A_613 : memref<4x26x128xf32, #tpu.memory_space<vmem>>) dst(%dma_wait3A_612 : memref<4x26x128xf32, #tpu.memory_space<hbm>>)
      %add3A_614 = arith.constant 8 : i32
      %add3A_615 = arith.addi %add3A_585, %add3A_614 : i32
      %mul3A_616 = arith.constant 104 : i32
      %mul3A_617 = arith.muli %add3A_615, %mul3A_616 : i32
      %add3A_618 = arith.constant 0 : i32
      %add3A_619 = arith.addi %mul3A_617, %add3A_618 : i32
      %dma_start3A_620 = arith.constant 0 : i32
      %dma_start3A_621 = arith.constant 0 : i32
      %dma_start3A_622 = tpu.memref_slice %arg13[%dma_start3A_620, %dma_start3A_621] : memref<104x128xf32, #tpu.memory_space<vmem>> -> memref<104x128xf32, #tpu.memory_space<vmem>>
      %dma_start3A_623 = tpu.memref_slice %arg5[%add3A_619] : memref<13312xi32, #tpu.memory_space<vmem>> -> memref<104xi32, #tpu.memory_space<vmem>>
      %dma_start3A_624 = arith.constant 0 : i32
      %dma_start3A_625 = arith.constant 0 : i32
      %dma_start3A_626 = tpu.memref_slice %arg2[%dma_start3A_624, %dma_start3A_625] : memref<26000x128xf32, #tpu.memory_space<hbm>> -> memref<26000x128xf32, #tpu.memory_space<hbm>>
      tpu.enqueue_indirect_dma source(%dma_start3A_626 : memref<26000x128xf32, #tpu.memory_space<hbm>>) target(%dma_start3A_622 : memref<104x128xf32, #tpu.memory_space<vmem>>) offsets(%dma_start3A_623 : memref<104xi32, #tpu.memory_space<vmem>>) semaphore(%arg21 : memref<!tpu.dma_semaphore, #tpu.memory_space<semaphore_mem>>)
    }
    %scan3A_72 = arith.constant 15 : i32
    %dma_wait3A = arith.constant 0 : i32
    %dma_wait3A_73 = arith.constant 0 : i32
    %dma_wait3A_74 = tpu.memref_slice %arg2[%dma_wait3A, %dma_wait3A_73] : memref<26000x128xf32, #tpu.memory_space<hbm>> -> memref<104x128xf32, #tpu.memory_space<hbm>>
    %dma_wait3A_75 = arith.constant 0 : i32
    %dma_wait3A_76 = arith.constant 0 : i32
    %dma_wait3A_77 = tpu.memref_slice %arg2[%dma_wait3A_75, %dma_wait3A_76] : memref<26000x128xf32, #tpu.memory_space<hbm>> -> memref<104x128xf32, #tpu.memory_space<hbm>>
    tpu.wait_dma2 semaphore(%arg14 : memref<!tpu.dma_semaphore, #tpu.memory_space<semaphore_mem>>) src(%dma_wait3A_77 : memref<104x128xf32, #tpu.memory_space<hbm>>) dst(%arg6 : memref<104x128xf32, #tpu.memory_space<vmem>>)
    %add3A_78 = arith.constant 480 : i32
    %add3A_79 = arith.addi %mul3A_4, %add3A_78 : i32
    %dma_start3A_80 = tpu.memref_reshape %arg6 : memref<104x128xf32, #tpu.memory_space<vmem>> -> memref<4x26x128xf32, #tpu.memory_space<vmem>>
    %dma_start3A_81 = arith.constant 0 : i32
    %dma_start3A_82 = arith.constant 0 : i32
    %dma_start3A_83 = tpu.memref_slice %arg4[%add3A_79, %dma_start3A_81, %dma_start3A_82] : memref<16384x26x128xf32, #tpu.memory_space<hbm>> -> memref<4x26x128xf32, #tpu.memory_space<hbm>>
    %dma_start3A_84 = arith.constant 0 : i32
    %dma_start3A_85 = arith.constant 0 : i32
    %dma_start3A_86 = tpu.memref_slice %arg4[%add3A_79, %dma_start3A_84, %dma_start3A_85] : memref<16384x26x128xf32, #tpu.memory_space<hbm>> -> memref<4x26x128xf32, #tpu.memory_space<hbm>>
    %dma_start3A_87 = tpu.memref_reshape %arg6 : memref<104x128xf32, #tpu.memory_space<vmem>> -> memref<4x26x128xf32, #tpu.memory_space<vmem>>
    tpu.enqueue_dma source(%dma_start3A_87 : memref<4x26x128xf32, #tpu.memory_space<vmem>>) target(%dma_start3A_86 : memref<4x26x128xf32, #tpu.memory_space<hbm>>) target_semaphore(%arg22 : memref<!tpu.dma_semaphore, #tpu.memory_space<semaphore_mem>>)
    %dma_wait3A_88 = arith.constant 0 : i32
    %dma_wait3A_89 = arith.constant 0 : i32
    %dma_wait3A_90 = tpu.memref_slice %arg2[%dma_wait3A_88, %dma_wait3A_89] : memref<26000x128xf32, #tpu.memory_space<hbm>> -> memref<104x128xf32, #tpu.memory_space<hbm>>
    %dma_wait3A_91 = arith.constant 0 : i32
    %dma_wait3A_92 = arith.constant 0 : i32
    %dma_wait3A_93 = tpu.memref_slice %arg2[%dma_wait3A_91, %dma_wait3A_92] : memref<26000x128xf32, #tpu.memory_space<hbm>> -> memref<104x128xf32, #tpu.memory_space<hbm>>
    tpu.wait_dma2 semaphore(%arg15 : memref<!tpu.dma_semaphore, #tpu.memory_space<semaphore_mem>>) src(%dma_wait3A_93 : memref<104x128xf32, #tpu.memory_space<hbm>>) dst(%arg7 : memref<104x128xf32, #tpu.memory_space<vmem>>)
    %add3A_94 = arith.constant 484 : i32
    %add3A_95 = arith.addi %mul3A_4, %add3A_94 : i32
    %dma_start3A_96 = tpu.memref_reshape %arg7 : memref<104x128xf32, #tpu.memory_space<vmem>> -> memref<4x26x128xf32, #tpu.memory_space<vmem>>
    %dma_start3A_97 = arith.constant 0 : i32
    %dma_start3A_98 = arith.constant 0 : i32
    %dma_start3A_99 = tpu.memref_slice %arg4[%add3A_95, %dma_start3A_97, %dma_start3A_98] : memref<16384x26x128xf32, #tpu.memory_space<hbm>> -> memref<4x26x128xf32, #tpu.memory_space<hbm>>
    %dma_start3A_100 = arith.constant 0 : i32
    %dma_start3A_101 = arith.constant 0 : i32
    %dma_start3A_102 = tpu.memref_slice %arg4[%add3A_95, %dma_start3A_100, %dma_start3A_101] : memref<16384x26x128xf32, #tpu.memory_space<hbm>> -> memref<4x26x128xf32, #tpu.memory_space<hbm>>
    %dma_start3A_103 = tpu.memref_reshape %arg7 : memref<104x128xf32, #tpu.memory_space<vmem>> -> memref<4x26x128xf32, #tpu.memory_space<vmem>>
    tpu.enqueue_dma source(%dma_start3A_103 : memref<4x26x128xf32, #tpu.memory_space<vmem>>) target(%dma_start3A_102 : memref<4x26x128xf32, #tpu.memory_space<hbm>>) target_semaphore(%arg23 : memref<!tpu.dma_semaphore, #tpu.memory_space<semaphore_mem>>)
    %dma_wait3A_104 = arith.constant 0 : i32
    %dma_wait3A_105 = arith.constant 0 : i32
    %dma_wait3A_106 = tpu.memref_slice %arg2[%dma_wait3A_104, %dma_wait3A_105] : memref<26000x128xf32, #tpu.memory_space<hbm>> -> memref<104x128xf32, #tpu.memory_space<hbm>>
    %dma_wait3A_107 = arith.constant 0 : i32
    %dma_wait3A_108 = arith.constant 0 : i32
    %dma_wait3A_109 = tpu.memref_slice %arg2[%dma_wait3A_107, %dma_wait3A_108] : memref<26000x128xf32, #tpu.memory_space<hbm>> -> memref<104x128xf32, #tpu.memory_space<hbm>>
    tpu.wait_dma2 semaphore(%arg16 : memref<!tpu.dma_semaphore, #tpu.memory_space<semaphore_mem>>) src(%dma_wait3A_109 : memref<104x128xf32, #tpu.memory_space<hbm>>) dst(%arg8 : memref<104x128xf32, #tpu.memory_space<vmem>>)
    %add3A_110 = arith.constant 488 : i32
    %add3A_111 = arith.addi %mul3A_4, %add3A_110 : i32
    %dma_start3A_112 = tpu.memref_reshape %arg8 : memref<104x128xf32, #tpu.memory_space<vmem>> -> memref<4x26x128xf32, #tpu.memory_space<vmem>>
    %dma_start3A_113 = arith.constant 0 : i32
    %dma_start3A_114 = arith.constant 0 : i32
    %dma_start3A_115 = tpu.memref_slice %arg4[%add3A_111, %dma_start3A_113, %dma_start3A_114] : memref<16384x26x128xf32, #tpu.memory_space<hbm>> -> memref<4x26x128xf32, #tpu.memory_space<hbm>>
    %dma_start3A_116 = arith.constant 0 : i32
    %dma_start3A_117 = arith.constant 0 : i32
    %dma_start3A_118 = tpu.memref_slice %arg4[%add3A_111, %dma_start3A_116, %dma_start3A_117] : memref<16384x26x128xf32, #tpu.memory_space<hbm>> -> memref<4x26x128xf32, #tpu.memory_space<hbm>>
    %dma_start3A_119 = tpu.memref_reshape %arg8 : memref<104x128xf32, #tpu.memory_space<vmem>> -> memref<4x26x128xf32, #tpu.memory_space<vmem>>
    tpu.enqueue_dma source(%dma_start3A_119 : memref<4x26x128xf32, #tpu.memory_space<vmem>>) target(%dma_start3A_118 : memref<4x26x128xf32, #tpu.memory_space<hbm>>) target_semaphore(%arg24 : memref<!tpu.dma_semaphore, #tpu.memory_space<semaphore_mem>>)
    %dma_wait3A_120 = arith.constant 0 : i32
    %dma_wait3A_121 = arith.constant 0 : i32
    %dma_wait3A_122 = tpu.memref_slice %arg2[%dma_wait3A_120, %dma_wait3A_121] : memref<26000x128xf32, #tpu.memory_space<hbm>> -> memref<104x128xf32, #tpu.memory_space<hbm>>
    %dma_wait3A_123 = arith.constant 0 : i32
    %dma_wait3A_124 = arith.constant 0 : i32
    %dma_wait3A_125 = tpu.memref_slice %arg2[%dma_wait3A_123, %dma_wait3A_124] : memref<26000x128xf32, #tpu.memory_space<hbm>> -> memref<104x128xf32, #tpu.memory_space<hbm>>
    tpu.wait_dma2 semaphore(%arg17 : memref<!tpu.dma_semaphore, #tpu.memory_space<semaphore_mem>>) src(%dma_wait3A_125 : memref<104x128xf32, #tpu.memory_space<hbm>>) dst(%arg9 : memref<104x128xf32, #tpu.memory_space<vmem>>)
    %add3A_126 = arith.constant 492 : i32
    %add3A_127 = arith.addi %mul3A_4, %add3A_126 : i32
    %dma_start3A_128 = tpu.memref_reshape %arg9 : memref<104x128xf32, #tpu.memory_space<vmem>> -> memref<4x26x128xf32, #tpu.memory_space<vmem>>
    %dma_start3A_129 = arith.constant 0 : i32
    %dma_start3A_130 = arith.constant 0 : i32
    %dma_start3A_131 = tpu.memref_slice %arg4[%add3A_127, %dma_start3A_129, %dma_start3A_130] : memref<16384x26x128xf32, #tpu.memory_space<hbm>> -> memref<4x26x128xf32, #tpu.memory_space<hbm>>
    %dma_start3A_132 = arith.constant 0 : i32
    %dma_start3A_133 = arith.constant 0 : i32
    %dma_start3A_134 = tpu.memref_slice %arg4[%add3A_127, %dma_start3A_132, %dma_start3A_133] : memref<16384x26x128xf32, #tpu.memory_space<hbm>> -> memref<4x26x128xf32, #tpu.memory_space<hbm>>
    %dma_start3A_135 = tpu.memref_reshape %arg9 : memref<104x128xf32, #tpu.memory_space<vmem>> -> memref<4x26x128xf32, #tpu.memory_space<vmem>>
    tpu.enqueue_dma source(%dma_start3A_135 : memref<4x26x128xf32, #tpu.memory_space<vmem>>) target(%dma_start3A_134 : memref<4x26x128xf32, #tpu.memory_space<hbm>>) target_semaphore(%arg25 : memref<!tpu.dma_semaphore, #tpu.memory_space<semaphore_mem>>)
    %dma_wait3A_136 = arith.constant 0 : i32
    %dma_wait3A_137 = arith.constant 0 : i32
    %dma_wait3A_138 = tpu.memref_slice %arg2[%dma_wait3A_136, %dma_wait3A_137] : memref<26000x128xf32, #tpu.memory_space<hbm>> -> memref<104x128xf32, #tpu.memory_space<hbm>>
    %dma_wait3A_139 = arith.constant 0 : i32
    %dma_wait3A_140 = arith.constant 0 : i32
    %dma_wait3A_141 = tpu.memref_slice %arg2[%dma_wait3A_139, %dma_wait3A_140] : memref<26000x128xf32, #tpu.memory_space<hbm>> -> memref<104x128xf32, #tpu.memory_space<hbm>>
    tpu.wait_dma2 semaphore(%arg18 : memref<!tpu.dma_semaphore, #tpu.memory_space<semaphore_mem>>) src(%dma_wait3A_141 : memref<104x128xf32, #tpu.memory_space<hbm>>) dst(%arg10 : memref<104x128xf32, #tpu.memory_space<vmem>>)
    %add3A_142 = arith.constant 496 : i32
    %add3A_143 = arith.addi %mul3A_4, %add3A_142 : i32
    %dma_start3A_144 = tpu.memref_reshape %arg10 : memref<104x128xf32, #tpu.memory_space<vmem>> -> memref<4x26x128xf32, #tpu.memory_space<vmem>>
    %dma_start3A_145 = arith.constant 0 : i32
    %dma_start3A_146 = arith.constant 0 : i32
    %dma_start3A_147 = tpu.memref_slice %arg4[%add3A_143, %dma_start3A_145, %dma_start3A_146] : memref<16384x26x128xf32, #tpu.memory_space<hbm>> -> memref<4x26x128xf32, #tpu.memory_space<hbm>>
    %dma_start3A_148 = arith.constant 0 : i32
    %dma_start3A_149 = arith.constant 0 : i32
    %dma_start3A_150 = tpu.memref_slice %arg4[%add3A_143, %dma_start3A_148, %dma_start3A_149] : memref<16384x26x128xf32, #tpu.memory_space<hbm>> -> memref<4x26x128xf32, #tpu.memory_space<hbm>>
    %dma_start3A_151 = tpu.memref_reshape %arg10 : memref<104x128xf32, #tpu.memory_space<vmem>> -> memref<4x26x128xf32, #tpu.memory_space<vmem>>
    tpu.enqueue_dma source(%dma_start3A_151 : memref<4x26x128xf32, #tpu.memory_space<vmem>>) target(%dma_start3A_150 : memref<4x26x128xf32, #tpu.memory_space<hbm>>) target_semaphore(%arg26 : memref<!tpu.dma_semaphore, #tpu.memory_space<semaphore_mem>>)
    %dma_wait3A_152 = arith.constant 0 : i32
    %dma_wait3A_153 = arith.constant 0 : i32
    %dma_wait3A_154 = tpu.memref_slice %arg2[%dma_wait3A_152, %dma_wait3A_153] : memref<26000x128xf32, #tpu.memory_space<hbm>> -> memref<104x128xf32, #tpu.memory_space<hbm>>
    %dma_wait3A_155 = arith.constant 0 : i32
    %dma_wait3A_156 = arith.constant 0 : i32
    %dma_wait3A_157 = tpu.memref_slice %arg2[%dma_wait3A_155, %dma_wait3A_156] : memref<26000x128xf32, #tpu.memory_space<hbm>> -> memref<104x128xf32, #tpu.memory_space<hbm>>
    tpu.wait_dma2 semaphore(%arg19 : memref<!tpu.dma_semaphore, #tpu.memory_space<semaphore_mem>>) src(%dma_wait3A_157 : memref<104x128xf32, #tpu.memory_space<hbm>>) dst(%arg11 : memref<104x128xf32, #tpu.memory_space<vmem>>)
    %add3A_158 = arith.constant 500 : i32
    %add3A_159 = arith.addi %mul3A_4, %add3A_158 : i32
    %dma_start3A_160 = tpu.memref_reshape %arg11 : memref<104x128xf32, #tpu.memory_space<vmem>> -> memref<4x26x128xf32, #tpu.memory_space<vmem>>
    %dma_start3A_161 = arith.constant 0 : i32
    %dma_start3A_162 = arith.constant 0 : i32
    %dma_start3A_163 = tpu.memref_slice %arg4[%add3A_159, %dma_start3A_161, %dma_start3A_162] : memref<16384x26x128xf32, #tpu.memory_space<hbm>> -> memref<4x26x128xf32, #tpu.memory_space<hbm>>
    %dma_start3A_164 = arith.constant 0 : i32
    %dma_start3A_165 = arith.constant 0 : i32
    %dma_start3A_166 = tpu.memref_slice %arg4[%add3A_159, %dma_start3A_164, %dma_start3A_165] : memref<16384x26x128xf32, #tpu.memory_space<hbm>> -> memref<4x26x128xf32, #tpu.memory_space<hbm>>
    %dma_start3A_167 = tpu.memref_reshape %arg11 : memref<104x128xf32, #tpu.memory_space<vmem>> -> memref<4x26x128xf32, #tpu.memory_space<vmem>>
    tpu.enqueue_dma source(%dma_start3A_167 : memref<4x26x128xf32, #tpu.memory_space<vmem>>) target(%dma_start3A_166 : memref<4x26x128xf32, #tpu.memory_space<hbm>>) target_semaphore(%arg27 : memref<!tpu.dma_semaphore, #tpu.memory_space<semaphore_mem>>)
    %dma_wait3A_168 = arith.constant 0 : i32
    %dma_wait3A_169 = arith.constant 0 : i32
    %dma_wait3A_170 = tpu.memref_slice %arg2[%dma_wait3A_168, %dma_wait3A_169] : memref<26000x128xf32, #tpu.memory_space<hbm>> -> memref<104x128xf32, #tpu.memory_space<hbm>>
    %dma_wait3A_171 = arith.constant 0 : i32
    %dma_wait3A_172 = arith.constant 0 : i32
    %dma_wait3A_173 = tpu.memref_slice %arg2[%dma_wait3A_171, %dma_wait3A_172] : memref<26000x128xf32, #tpu.memory_space<hbm>> -> memref<104x128xf32, #tpu.memory_space<hbm>>
    tpu.wait_dma2 semaphore(%arg20 : memref<!tpu.dma_semaphore, #tpu.memory_space<semaphore_mem>>) src(%dma_wait3A_173 : memref<104x128xf32, #tpu.memory_space<hbm>>) dst(%arg12 : memref<104x128xf32, #tpu.memory_space<vmem>>)
    %add3A_174 = arith.constant 504 : i32
    %add3A_175 = arith.addi %mul3A_4, %add3A_174 : i32
    %dma_start3A_176 = tpu.memref_reshape %arg12 : memref<104x128xf32, #tpu.memory_space<vmem>> -> memref<4x26x128xf32, #tpu.memory_space<vmem>>
    %dma_start3A_177 = arith.constant 0 : i32
    %dma_start3A_178 = arith.constant 0 : i32
    %dma_start3A_179 = tpu.memref_slice %arg4[%add3A_175, %dma_start3A_177, %dma_start3A_178] : memref<16384x26x128xf32, #tpu.memory_space<hbm>> -> memref<4x26x128xf32, #tpu.memory_space<hbm>>
    %dma_start3A_180 = arith.constant 0 : i32
    %dma_start3A_181 = arith.constant 0 : i32
    %dma_start3A_182 = tpu.memref_slice %arg4[%add3A_175, %dma_start3A_180, %dma_start3A_181] : memref<16384x26x128xf32, #tpu.memory_space<hbm>> -> memref<4x26x128xf32, #tpu.memory_space<hbm>>
    %dma_start3A_183 = tpu.memref_reshape %arg12 : memref<104x128xf32, #tpu.memory_space<vmem>> -> memref<4x26x128xf32, #tpu.memory_space<vmem>>
    tpu.enqueue_dma source(%dma_start3A_183 : memref<4x26x128xf32, #tpu.memory_space<vmem>>) target(%dma_start3A_182 : memref<4x26x128xf32, #tpu.memory_space<hbm>>) target_semaphore(%arg28 : memref<!tpu.dma_semaphore, #tpu.memory_space<semaphore_mem>>)
    %dma_wait3A_184 = arith.constant 0 : i32
    %dma_wait3A_185 = arith.constant 0 : i32
    %dma_wait3A_186 = tpu.memref_slice %arg2[%dma_wait3A_184, %dma_wait3A_185] : memref<26000x128xf32, #tpu.memory_space<hbm>> -> memref<104x128xf32, #tpu.memory_space<hbm>>
    %dma_wait3A_187 = arith.constant 0 : i32
    %dma_wait3A_188 = arith.constant 0 : i32
    %dma_wait3A_189 = tpu.memref_slice %arg2[%dma_wait3A_187, %dma_wait3A_188] : memref<26000x128xf32, #tpu.memory_space<hbm>> -> memref<104x128xf32, #tpu.memory_space<hbm>>
    tpu.wait_dma2 semaphore(%arg21 : memref<!tpu.dma_semaphore, #tpu.memory_space<semaphore_mem>>) src(%dma_wait3A_189 : memref<104x128xf32, #tpu.memory_space<hbm>>) dst(%arg13 : memref<104x128xf32, #tpu.memory_space<vmem>>)
    %add3A_190 = arith.constant 508 : i32
    %add3A_191 = arith.addi %mul3A_4, %add3A_190 : i32
    %dma_start3A_192 = tpu.memref_reshape %arg13 : memref<104x128xf32, #tpu.memory_space<vmem>> -> memref<4x26x128xf32, #tpu.memory_space<vmem>>
    %dma_start3A_193 = arith.constant 0 : i32
    %dma_start3A_194 = arith.constant 0 : i32
    %dma_start3A_195 = tpu.memref_slice %arg4[%add3A_191, %dma_start3A_193, %dma_start3A_194] : memref<16384x26x128xf32, #tpu.memory_space<hbm>> -> memref<4x26x128xf32, #tpu.memory_space<hbm>>
    %dma_start3A_196 = arith.constant 0 : i32
    %dma_start3A_197 = arith.constant 0 : i32
    %dma_start3A_198 = tpu.memref_slice %arg4[%add3A_191, %dma_start3A_196, %dma_start3A_197] : memref<16384x26x128xf32, #tpu.memory_space<hbm>> -> memref<4x26x128xf32, #tpu.memory_space<hbm>>
    %dma_start3A_199 = tpu.memref_reshape %arg13 : memref<104x128xf32, #tpu.memory_space<vmem>> -> memref<4x26x128xf32, #tpu.memory_space<vmem>>
    tpu.enqueue_dma source(%dma_start3A_199 : memref<4x26x128xf32, #tpu.memory_space<vmem>>) target(%dma_start3A_198 : memref<4x26x128xf32, #tpu.memory_space<hbm>>) target_semaphore(%arg29 : memref<!tpu.dma_semaphore, #tpu.memory_space<semaphore_mem>>)
    %add3A_200 = arith.constant 480 : i32
    %add3A_201 = arith.addi %mul3A_4, %add3A_200 : i32
    %dma_wait3A_202 = tpu.memref_reshape %arg6 : memref<104x128xf32, #tpu.memory_space<vmem>> -> memref<4x26x128xf32, #tpu.memory_space<vmem>>
    %dma_wait3A_203 = arith.constant 0 : i32
    %dma_wait3A_204 = arith.constant 0 : i32
    %dma_wait3A_205 = tpu.memref_slice %arg4[%add3A_201, %dma_wait3A_203, %dma_wait3A_204] : memref<16384x26x128xf32, #tpu.memory_space<hbm>> -> memref<4x26x128xf32, #tpu.memory_space<hbm>>
    %dma_wait3A_206 = arith.constant 0 : i32
    %dma_wait3A_207 = arith.constant 0 : i32
    %dma_wait3A_208 = tpu.memref_slice %arg4[%add3A_201, %dma_wait3A_206, %dma_wait3A_207] : memref<16384x26x128xf32, #tpu.memory_space<hbm>> -> memref<4x26x128xf32, #tpu.memory_space<hbm>>
    %dma_wait3A_209 = tpu.memref_reshape %arg6 : memref<104x128xf32, #tpu.memory_space<vmem>> -> memref<4x26x128xf32, #tpu.memory_space<vmem>>
    tpu.wait_dma2 semaphore(%arg22 : memref<!tpu.dma_semaphore, #tpu.memory_space<semaphore_mem>>) src(%dma_wait3A_209 : memref<4x26x128xf32, #tpu.memory_space<vmem>>) dst(%dma_wait3A_208 : memref<4x26x128xf32, #tpu.memory_space<hbm>>)
    %add3A_210 = arith.constant 484 : i32
    %add3A_211 = arith.addi %mul3A_4, %add3A_210 : i32
    %dma_wait3A_212 = tpu.memref_reshape %arg7 : memref<104x128xf32, #tpu.memory_space<vmem>> -> memref<4x26x128xf32, #tpu.memory_space<vmem>>
    %dma_wait3A_213 = arith.constant 0 : i32
    %dma_wait3A_214 = arith.constant 0 : i32
    %dma_wait3A_215 = tpu.memref_slice %arg4[%add3A_211, %dma_wait3A_213, %dma_wait3A_214] : memref<16384x26x128xf32, #tpu.memory_space<hbm>> -> memref<4x26x128xf32, #tpu.memory_space<hbm>>
    %dma_wait3A_216 = arith.constant 0 : i32
    %dma_wait3A_217 = arith.constant 0 : i32
    %dma_wait3A_218 = tpu.memref_slice %arg4[%add3A_211, %dma_wait3A_216, %dma_wait3A_217] : memref<16384x26x128xf32, #tpu.memory_space<hbm>> -> memref<4x26x128xf32, #tpu.memory_space<hbm>>
    %dma_wait3A_219 = tpu.memref_reshape %arg7 : memref<104x128xf32, #tpu.memory_space<vmem>> -> memref<4x26x128xf32, #tpu.memory_space<vmem>>
    tpu.wait_dma2 semaphore(%arg23 : memref<!tpu.dma_semaphore, #tpu.memory_space<semaphore_mem>>) src(%dma_wait3A_219 : memref<4x26x128xf32, #tpu.memory_space<vmem>>) dst(%dma_wait3A_218 : memref<4x26x128xf32, #tpu.memory_space<hbm>>)
    %add3A_220 = arith.constant 488 : i32
    %add3A_221 = arith.addi %mul3A_4, %add3A_220 : i32
    %dma_wait3A_222 = tpu.memref_reshape %arg8 : memref<104x128xf32, #tpu.memory_space<vmem>> -> memref<4x26x128xf32, #tpu.memory_space<vmem>>
    %dma_wait3A_223 = arith.constant 0 : i32
    %dma_wait3A_224 = arith.constant 0 : i32
    %dma_wait3A_225 = tpu.memref_slice %arg4[%add3A_221, %dma_wait3A_223, %dma_wait3A_224] : memref<16384x26x128xf32, #tpu.memory_space<hbm>> -> memref<4x26x128xf32, #tpu.memory_space<hbm>>
    %dma_wait3A_226 = arith.constant 0 : i32
    %dma_wait3A_227 = arith.constant 0 : i32
    %dma_wait3A_228 = tpu.memref_slice %arg4[%add3A_221, %dma_wait3A_226, %dma_wait3A_227] : memref<16384x26x128xf32, #tpu.memory_space<hbm>> -> memref<4x26x128xf32, #tpu.memory_space<hbm>>
    %dma_wait3A_229 = tpu.memref_reshape %arg8 : memref<104x128xf32, #tpu.memory_space<vmem>> -> memref<4x26x128xf32, #tpu.memory_space<vmem>>
    tpu.wait_dma2 semaphore(%arg24 : memref<!tpu.dma_semaphore, #tpu.memory_space<semaphore_mem>>) src(%dma_wait3A_229 : memref<4x26x128xf32, #tpu.memory_space<vmem>>) dst(%dma_wait3A_228 : memref<4x26x128xf32, #tpu.memory_space<hbm>>)
    %add3A_230 = arith.constant 492 : i32
    %add3A_231 = arith.addi %mul3A_4, %add3A_230 : i32
    %dma_wait3A_232 = tpu.memref_reshape %arg9 : memref<104x128xf32, #tpu.memory_space<vmem>> -> memref<4x26x128xf32, #tpu.memory_space<vmem>>
    %dma_wait3A_233 = arith.constant 0 : i32
    %dma_wait3A_234 = arith.constant 0 : i32
    %dma_wait3A_235 = tpu.memref_slice %arg4[%add3A_231, %dma_wait3A_233, %dma_wait3A_234] : memref<16384x26x128xf32, #tpu.memory_space<hbm>> -> memref<4x26x128xf32, #tpu.memory_space<hbm>>
    %dma_wait3A_236 = arith.constant 0 : i32
    %dma_wait3A_237 = arith.constant 0 : i32
    %dma_wait3A_238 = tpu.memref_slice %arg4[%add3A_231, %dma_wait3A_236, %dma_wait3A_237] : memref<16384x26x128xf32, #tpu.memory_space<hbm>> -> memref<4x26x128xf32, #tpu.memory_space<hbm>>
    %dma_wait3A_239 = tpu.memref_reshape %arg9 : memref<104x128xf32, #tpu.memory_space<vmem>> -> memref<4x26x128xf32, #tpu.memory_space<vmem>>
    tpu.wait_dma2 semaphore(%arg25 : memref<!tpu.dma_semaphore, #tpu.memory_space<semaphore_mem>>) src(%dma_wait3A_239 : memref<4x26x128xf32, #tpu.memory_space<vmem>>) dst(%dma_wait3A_238 : memref<4x26x128xf32, #tpu.memory_space<hbm>>)
    %add3A_240 = arith.constant 496 : i32
    %add3A_241 = arith.addi %mul3A_4, %add3A_240 : i32
    %dma_wait3A_242 = tpu.memref_reshape %arg10 : memref<104x128xf32, #tpu.memory_space<vmem>> -> memref<4x26x128xf32, #tpu.memory_space<vmem>>
    %dma_wait3A_243 = arith.constant 0 : i32
    %dma_wait3A_244 = arith.constant 0 : i32
    %dma_wait3A_245 = tpu.memref_slice %arg4[%add3A_241, %dma_wait3A_243, %dma_wait3A_244] : memref<16384x26x128xf32, #tpu.memory_space<hbm>> -> memref<4x26x128xf32, #tpu.memory_space<hbm>>
    %dma_wait3A_246 = arith.constant 0 : i32
    %dma_wait3A_247 = arith.constant 0 : i32
    %dma_wait3A_248 = tpu.memref_slice %arg4[%add3A_241, %dma_wait3A_246, %dma_wait3A_247] : memref<16384x26x128xf32, #tpu.memory_space<hbm>> -> memref<4x26x128xf32, #tpu.memory_space<hbm>>
    %dma_wait3A_249 = tpu.memref_reshape %arg10 : memref<104x128xf32, #tpu.memory_space<vmem>> -> memref<4x26x128xf32, #tpu.memory_space<vmem>>
    tpu.wait_dma2 semaphore(%arg26 : memref<!tpu.dma_semaphore, #tpu.memory_space<semaphore_mem>>) src(%dma_wait3A_249 : memref<4x26x128xf32, #tpu.memory_space<vmem>>) dst(%dma_wait3A_248 : memref<4x26x128xf32, #tpu.memory_space<hbm>>)
    %add3A_250 = arith.constant 500 : i32
    %add3A_251 = arith.addi %mul3A_4, %add3A_250 : i32
    %dma_wait3A_252 = tpu.memref_reshape %arg11 : memref<104x128xf32, #tpu.memory_space<vmem>> -> memref<4x26x128xf32, #tpu.memory_space<vmem>>
    %dma_wait3A_253 = arith.constant 0 : i32
    %dma_wait3A_254 = arith.constant 0 : i32
    %dma_wait3A_255 = tpu.memref_slice %arg4[%add3A_251, %dma_wait3A_253, %dma_wait3A_254] : memref<16384x26x128xf32, #tpu.memory_space<hbm>> -> memref<4x26x128xf32, #tpu.memory_space<hbm>>
    %dma_wait3A_256 = arith.constant 0 : i32
    %dma_wait3A_257 = arith.constant 0 : i32
    %dma_wait3A_258 = tpu.memref_slice %arg4[%add3A_251, %dma_wait3A_256, %dma_wait3A_257] : memref<16384x26x128xf32, #tpu.memory_space<hbm>> -> memref<4x26x128xf32, #tpu.memory_space<hbm>>
    %dma_wait3A_259 = tpu.memref_reshape %arg11 : memref<104x128xf32, #tpu.memory_space<vmem>> -> memref<4x26x128xf32, #tpu.memory_space<vmem>>
    tpu.wait_dma2 semaphore(%arg27 : memref<!tpu.dma_semaphore, #tpu.memory_space<semaphore_mem>>) src(%dma_wait3A_259 : memref<4x26x128xf32, #tpu.memory_space<vmem>>) dst(%dma_wait3A_258 : memref<4x26x128xf32, #tpu.memory_space<hbm>>)
    %add3A_260 = arith.constant 504 : i32
    %add3A_261 = arith.addi %mul3A_4, %add3A_260 : i32
    %dma_wait3A_262 = tpu.memref_reshape %arg12 : memref<104x128xf32, #tpu.memory_space<vmem>> -> memref<4x26x128xf32, #tpu.memory_space<vmem>>
    %dma_wait3A_263 = arith.constant 0 : i32
    %dma_wait3A_264 = arith.constant 0 : i32
    %dma_wait3A_265 = tpu.memref_slice %arg4[%add3A_261, %dma_wait3A_263, %dma_wait3A_264] : memref<16384x26x128xf32, #tpu.memory_space<hbm>> -> memref<4x26x128xf32, #tpu.memory_space<hbm>>
    %dma_wait3A_266 = arith.constant 0 : i32
    %dma_wait3A_267 = arith.constant 0 : i32
    %dma_wait3A_268 = tpu.memref_slice %arg4[%add3A_261, %dma_wait3A_266, %dma_wait3A_267] : memref<16384x26x128xf32, #tpu.memory_space<hbm>> -> memref<4x26x128xf32, #tpu.memory_space<hbm>>
    %dma_wait3A_269 = tpu.memref_reshape %arg12 : memref<104x128xf32, #tpu.memory_space<vmem>> -> memref<4x26x128xf32, #tpu.memory_space<vmem>>
    tpu.wait_dma2 semaphore(%arg28 : memref<!tpu.dma_semaphore, #tpu.memory_space<semaphore_mem>>) src(%dma_wait3A_269 : memref<4x26x128xf32, #tpu.memory_space<vmem>>) dst(%dma_wait3A_268 : memref<4x26x128xf32, #tpu.memory_space<hbm>>)
    %add3A_270 = arith.constant 508 : i32
    %add3A_271 = arith.addi %mul3A_4, %add3A_270 : i32
    %dma_wait3A_272 = tpu.memref_reshape %arg13 : memref<104x128xf32, #tpu.memory_space<vmem>> -> memref<4x26x128xf32, #tpu.memory_space<vmem>>
    %dma_wait3A_273 = arith.constant 0 : i32
    %dma_wait3A_274 = arith.constant 0 : i32
    %dma_wait3A_275 = tpu.memref_slice %arg4[%add3A_271, %dma_wait3A_273, %dma_wait3A_274] : memref<16384x26x128xf32, #tpu.memory_space<hbm>> -> memref<4x26x128xf32, #tpu.memory_space<hbm>>
    %dma_wait3A_276 = arith.constant 0 : i32
    %dma_wait3A_277 = arith.constant 0 : i32
    %dma_wait3A_278 = tpu.memref_slice %arg4[%add3A_271, %dma_wait3A_276, %dma_wait3A_277] : memref<16384x26x128xf32, #tpu.memory_space<hbm>> -> memref<4x26x128xf32, #tpu.memory_space<hbm>>
    %dma_wait3A_279 = tpu.memref_reshape %arg13 : memref<104x128xf32, #tpu.memory_space<vmem>> -> memref<4x26x128xf32, #tpu.memory_space<vmem>>
    tpu.wait_dma2 semaphore(%arg29 : memref<!tpu.dma_semaphore, #tpu.memory_space<semaphore_mem>>) src(%dma_wait3A_279 : memref<4x26x128xf32, #tpu.memory_space<vmem>>) dst(%dma_wait3A_278 : memref<4x26x128xf32, #tpu.memory_space<hbm>>)
    return
  }
}

module attributes {stable_mosaic.version = 14 : i64} {
  func.func @_idx_body(%arg0: memref<3328x128xi32, #tpu.memory_space<vmem>>, %arg1: memref<3328x128xi32, #tpu.memory_space<vmem>>) attributes {dimension_semantics = [], scalar_prefetch = 0 : i64, scratch_operands = 0 : i64, tpu.core_type = #tpu.core_type<tc>} {
    %iota3A = tpu.iota {dimensions = array<i32: 0>} : vector<3328x128xi32>
    %mul3A = arith.constant 128 : i32
    %mul3A_0 = vector.broadcast %mul3A : i32 to vector<3328x128xi32>
    %mul3A_1 = arith.muli %iota3A, %mul3A_0 : vector<3328x128xi32>
    %iota3A_2 = tpu.iota {dimensions = array<i32: 1>} : vector<3328x128xi32>
    %add3A = arith.addi %mul3A_1, %iota3A_2 : vector<3328x128xi32>
    %get3A = arith.constant 0 : index
    %get3A_3 = arith.constant 0 : index
    %get3A_4 = vector.load %arg0[%get3A, %get3A_3] : memref<3328x128xi32, #tpu.memory_space<vmem>>, vector<3328x128xi32>
    %jit3A = arith.constant 26 : i32
    %eq3A = arith.constant 0 : i32
    %eq3A_5 = arith.cmpi eq, %jit3A, %eq3A : i32
    %jit3A_6 = arith.constant 1 : i32
    %select_n3A = arith.select %eq3A_5, %jit3A_6, %jit3A : i32
    %rem3A = vector.broadcast %select_n3A : i32 to vector<3328x128xi32>
    %rem3A_7 = arith.remsi %add3A, %rem3A : vector<3328x128xi32>
    %ne3A = arith.constant 0 : i32
    %ne3A_8 = vector.broadcast %ne3A : i32 to vector<3328x128xi32>
    %ne3A_9 = arith.cmpi ne, %rem3A_7, %ne3A_8 : vector<3328x128xi32>
    %lt3A = arith.constant 0 : i32
    %lt3A_10 = vector.broadcast %lt3A : i32 to vector<3328x128xi32>
    %lt3A_11 = arith.cmpi slt, %rem3A_7, %lt3A_10 : vector<3328x128xi32>
    %lt3A_12 = arith.constant 0 : i32
    %lt3A_13 = arith.cmpi slt, %select_n3A, %lt3A_12 : i32
    %ne3A_14 = vector.broadcast %lt3A_13 : i1 to vector<3328x128xi1>
    %ne3A_15 = vector.broadcast %ne3A_14 : vector<3328x128xi1> to vector<3328x128xi1>
    %ne3A_16 = arith.xori %lt3A_11, %ne3A_15 : vector<3328x128xi1>
    %and3A = arith.andi %ne3A_16, %ne3A_9 : vector<3328x128xi1>
    %add3A_17 = vector.broadcast %select_n3A : i32 to vector<3328x128xi32>
    %add3A_18 = arith.addi %rem3A_7, %add3A_17 : vector<3328x128xi32>
    %select_n3A_19 = arith.select %and3A, %add3A_18, %rem3A_7 : vector<3328x128xi1>, vector<3328x128xi32>
    %mul3A_20 = arith.constant 1000 : i32
    %mul3A_21 = vector.broadcast %mul3A_20 : i32 to vector<3328x128xi32>
    %mul3A_22 = arith.muli %select_n3A_19, %mul3A_21 : vector<3328x128xi32>
    %add3A_23 = arith.addi %get3A_4, %mul3A_22 : vector<3328x128xi32>
    %swap3A = arith.constant 0 : index
    %swap3A_24 = arith.constant 0 : index
    %swap3A_25 = vector.load %arg1[%swap3A, %swap3A_24] : memref<3328x128xi32, #tpu.memory_space<vmem>>, vector<3328x128xi32>
    tpu.vector_store %arg1[%swap3A, %swap3A_24], %add3A_23 {strides = array<i32>} : memref<3328x128xi32, #tpu.memory_space<vmem>>, vector<3328x128xi32>,
    return
  }
}

module attributes {stable_mosaic.version = 14 : i64} {
  func.func @_fuse_body(%arg0: i32, %arg1: memref<26x1xf32, #tpu.memory_space<smem>>, %arg2: memref<2000x128xf32, #tpu.memory_space<vmem>>, %arg3: memref<2x1x128xf32, #tpu.memory_space<vmem>>, %arg4: memref<2000x128xf32, #tpu.memory_space<vmem>>) attributes {dimension_semantics = [#tpu.dimension_semantics<arbitrary>], iteration_bounds = array<i64: 13>, scalar_prefetch = 0 : i64, scratch_operands = 0 : i64, tpu.core_type = #tpu.core_type<tc>, window_params = [{transform_indices = @transform_0, window_bounds = array<i64: 26, 1>}, {transform_indices = @transform_1, window_bounds = array<i64: 2000, 128>}, {transform_indices = @transform_2, window_bounds = array<i64: 2, 1, 128>}, {transform_indices = @transform_3, window_bounds = array<i64: 2000, 128>}]} {
    %mul3A = arith.constant 2 : i32
    %mul3A_0 = arith.muli %mul3A, %arg0 : i32
    %get3A = arith.constant 0 : index
    %get3A_1 = arith.constant 0 : index
    %get3A_2 = vector.load %arg2[%get3A, %get3A_1] : memref<2000x128xf32, #tpu.memory_space<vmem>>, vector<1000x128xf32>
    %get3A_3 = arith.constant 0 : index
    %get3A_4 = arith.constant 0 : index
    %get3A_5 = arith.constant 0 : index
    %get3A_6 = vector.load %arg3[%get3A_3, %get3A_4, %get3A_5] : memref<2x1x128xf32, #tpu.memory_space<vmem>>, vector<1x1x128xf32>
    %get3A_7 = vector.shape_cast %get3A_6 : vector<1x1x128xf32> to vector<1x128xf32>
    %add3A = vector.broadcast %get3A_7 : vector<1x128xf32> to vector<1000x128xf32>
    %add3A_8 = arith.addf %get3A_2, %add3A : vector<1000x128xf32>
    %get3A_9 = arith.index_cast %mul3A_0 : i32 to index
    %get3A_10 = arith.constant 0 : index
    %get3A_11 = memref.load %arg1[%get3A_9, %get3A_10] : memref<26x1xf32, #tpu.memory_space<smem>>
    %mul3A_12 = vector.broadcast %get3A_11 : f32 to vector<1000x128xf32>
    %mul3A_13 = arith.mulf %add3A_8, %mul3A_12 : vector<1000x128xf32>
    %get3A_14 = arith.constant 1000 : index
    %get3A_15 = arith.constant 0 : index
    %get3A_16 = vector.load %arg2[%get3A_14, %get3A_15] : memref<2000x128xf32, #tpu.memory_space<vmem>>, vector<1000x128xf32>
    %get3A_17 = arith.constant 1 : index
    %get3A_18 = arith.constant 0 : index
    %get3A_19 = arith.constant 0 : index
    %get3A_20 = vector.load %arg3[%get3A_17, %get3A_18, %get3A_19] : memref<2x1x128xf32, #tpu.memory_space<vmem>>, vector<1x1x128xf32>
    %get3A_21 = vector.shape_cast %get3A_20 : vector<1x1x128xf32> to vector<1x128xf32>
    %add3A_22 = vector.broadcast %get3A_21 : vector<1x128xf32> to vector<1000x128xf32>
    %add3A_23 = arith.addf %get3A_16, %add3A_22 : vector<1000x128xf32>
    %add3A_24 = arith.constant 1 : i32
    %add3A_25 = arith.addi %mul3A_0, %add3A_24 : i32
    %get3A_26 = arith.index_cast %add3A_25 : i32 to index
    %get3A_27 = arith.constant 0 : index
    %get3A_28 = memref.load %arg1[%get3A_26, %get3A_27] : memref<26x1xf32, #tpu.memory_space<smem>>
    %mul3A_29 = vector.broadcast %get3A_28 : f32 to vector<1000x128xf32>
    %mul3A_30 = arith.mulf %add3A_23, %mul3A_29 : vector<1000x128xf32>
    %swap3A = arith.constant 0 : index
    %swap3A_31 = arith.constant 0 : index
    %swap3A_32 = vector.load %arg4[%swap3A, %swap3A_31] : memref<2000x128xf32, #tpu.memory_space<vmem>>, vector<1000x128xf32>
    tpu.vector_store %arg4[%swap3A, %swap3A_31], %mul3A_13 {strides = array<i32>} : memref<2000x128xf32, #tpu.memory_space<vmem>>, vector<1000x128xf32>,
    %swap3A_33 = arith.constant 1000 : index
    %swap3A_34 = arith.constant 0 : index
    %swap3A_35 = vector.load %arg4[%swap3A_33, %swap3A_34] : memref<2000x128xf32, #tpu.memory_space<vmem>>, vector<1000x128xf32>
    tpu.vector_store %arg4[%swap3A_33, %swap3A_34], %mul3A_30 {strides = array<i32>} : memref<2000x128xf32, #tpu.memory_space<vmem>>, vector<1000x128xf32>,
    return
  }
  func.func @transform_0(%arg0: i32) -> (i32, i32) {
    %c0_i32 = arith.constant 0 : i32
    %c0_i32_0 = arith.constant 0 : i32
    %c0_i32_1 = arith.constant 0 : i32
    return %c0_i32, %c0_i32_0 : i32, i32
  }
  func.func @transform_1(%arg0: i32) -> (i32, i32) {
    %c0_i32 = arith.constant 0 : i32
    %c0_i32_0 = arith.constant 0 : i32
    return %arg0, %c0_i32 : i32, i32
  }
  func.func @transform_2(%arg0: i32) -> (i32, i32, i32) {
    %c0_i32 = arith.constant 0 : i32
    %c0_i32_0 = arith.constant 0 : i32
    %c0_i32_1 = arith.constant 0 : i32
    return %arg0, %c0_i32, %c0_i32_0 : i32, i32, i32
  }
  func.func @transform_3(%arg0: i32) -> (i32, i32) {
    %c0_i32 = arith.constant 0 : i32
    %c0_i32_0 = arith.constant 0 : i32
    return %arg0, %c0_i32 : i32, i32
  }
}

</mosaic_0001>

<sc_bundles>
// kernel: kernel.5.cloned.1.call-start
scs
__scs_entry_jumppad:
0x0: {  	(pc) =	sbr.rel $0x88, $3  }
0x1: {  	(tag) =	ssettag $0x0;
	lr =	simm.s32 $0x1  }
0x2: {  	[smem:$0x3F9D] =	sst lr;
	_ =	strace $0xD0000000  }
0x3: {  	_ = 	snop  }
0x4: {  	_ = 	snop  }
0x5: {  	_ = 	snop  }
0x6: {  	_ = 	snop  }
0x7: {  	_ = 	snop  }
__scs_overlays_trampoline_lowered:
0x8: {  	[smem:$0x3FAC] =	sst s0  }
0x9: {  	[smem:$0x3FAD] =	sst s1  }
0xa: {  	[smem:$0x3FAE] =	sst s2  }
0xb: {  	[smem:$0x3FAF] =	sst s3  }
0xc: {  	[smem:$0x3FB0] =	sst s4  }
0xd: {  	[smem:$0x3FB1] =	sst s5  }
0xe: {  	[smem:$0x3FB2] =	sst s6  }
0xf: {  	[smem:$0x3FB3] =	sst s7  }
0x10: {  	[smem:$0x3FB4] =	sst s8  }
0x11: {  	[smem:$0x3FB5] =	sst s9;
	s0 =	simm.s32 @!p0 $0x0  }
0x12: {  	s1 =	sld [smem:$0x3F9B];
	s0 =	simm.s32 @p0 $0x1  }
0x13: {  	[smem:$0x3FB6] =	sst s0;
	s0 =	simm.s32 @!p1 $0x0  }
0x14: {  	s2 =	sld [smem:$0x3F9A];
	s0 =	simm.s32 @p1 $0x1  }
0x15: {  	[smem:$0x3FB7] =	sst s0;
	s0 =	simm.s32 @!p2 $0x0  }
0x16: {  	s3 =	sld [smem:$0x3FDB];
	s0 =	simm.s32 @p2 $0x1  }
0x17: {  	s4 =	simm.s32 $0x1BF5;
	[smem:$0x3FB9] =	sst s0  }
0x18: {  	s0 =	sld [smem:$0x3F9C];
	_ =	swait.ge [sflag:s4], $0x0  }
0x19: {  	s7 =	sld [smem:$0x3F9D]  }
0x1a: {  	s8 =	sadd.s32 $0xFFFFE003, lr  }
0x1b: {  	s9 =	sadd.s32 $0xFFFFFEF7, lr;
	s5 =	simm.s32 $0xFFFFFFFF;
	p2 =	slt.u32 s8, $0xFFFFF086  }
0x1c: {  	p1 =	slt.u32 s9, $0xF7A;
	s5 =	simm.s32 @!p2 $0x0  }
0x1d: {  	s5 =	simm.s32 @p1 $0x1;
	p0 =	seq.s32 s7, s2  }
0x1e: {  	s7 =	smul.u32 @!p0 $0xF7A, s2;
	p2 =	seq.s32 @!p0 s5, $0x0  }
0x1f: {  	s9 =	smul.u32 $0xF7A, s1;
	s8 =	simm.s32 @!p0 $0x1BF5;
	p2 =	por !p2, p0  }
0x20: {  	[sflag:s8] =	ssyncset.s32 @!p0 $0xFFFFF086;
	s6 =	sadd.s32 @!p0 s3, s7;
	s7 =	simm.s32 @!p0 $0x108  }
0x21: {  	s3 =	sadd.s32 s3, s9;
	s6 =	sadd.s32 @!p0 $0x88, s6;
	s7 =	simm.s32 @p2 $0x1082  }
0x22: {  	[simem:s7], [sflag:s8] =	dma.local @!p0 [hbm:s6], $0xF7A  }
0x23: {  	s9 =	sor.u32 $0xD0000000, s2;
	s6 =	simm.s32 $0x108;
	_ =	swait.ge @!p0 [sflag:s8], $0x0  }
0x24: {  	s3 =	sadd.s32 $0x88, s3;
	s6 =	simm.s32 @!p1 $0x1082;
	[sflag:s4] =	ssyncset.s32 $0xFFFFF086  }
0x25: {  	[simem:s6], [sflag:s4] =	dma.local [hbm:s3], $0xF7A  }
0x26: {  	[smem:$0x3F9D] =	sst s1;
	(tag) =	ssettag s2;
	_ =	strace s9  }
0x27: {  	s1 =	sld [smem:$0x3FAD]  }
0x28: {  	s2 =	sld [smem:$0x3FAE]  }
0x29: {  	s4 =	sld [smem:$0x3FB0]  }
0x2a: {  	p0 =	seq.s32 s5, $0x0;
	s5 =	sld [smem:$0x3FB1]  }
0x2b: {  	s6 =	sld [smem:$0x3FB2]  }
0x2c: {  	s7 =	sld [smem:$0x3FB3]  }
0x2d: {  	s3 =	simm.s32 $0x108;
	s8 =	sld [smem:$0x3FB4]  }
0x2e: {  	s3 =	simm.s32 @!p0 $0x1082;
	s9 =	sld [smem:$0x3FB5]  }
0x2f: {  	lr =	sadd.s32 s0, s3;
	s0 =	sld [smem:$0x3FAC]  }
0x30: {  	s3 =	sld [smem:$0x3FAF]  }
0x31: {  	[smem:$0x3FB8] =	sst s10  }
0x32: {  	s10 =	sld [smem:$0x3FB6];
	_ =	sdelay $0x3  }
0x33: {  	p0 =	seq.s32 s10, $0x1;
	s10 =	sld [smem:$0x3FB8];
	_ =	sdelay $0x3  }
0x34: {  	[smem:$0x3FB8] =	sst s10  }
0x35: {  	s10 =	sld [smem:$0x3FB7];
	_ =	sdelay $0x3  }
0x36: {  	p1 =	seq.s32 s10, $0x1;
	s10 =	sld [smem:$0x3FB8];
	_ =	sdelay $0x3  }
0x37: {  	[smem:$0x3FB8] =	sst s10  }
0x38: {  	s10 =	sld [smem:$0x3FB9]  }
0x39: {  	_ = 	snop;
	(pc) =	sbr.ind lr, $3  }
0x3a: {  	_ = 	snop  }
0x3b: {  	_ = 	snop  }
0x3c: {  	p2 =	seq.s32 s10, $0x1;
	s10 =	sld [smem:$0x3FB8]  }
0x3d: {  	_ =	shalt  }
0x3e: {  	_ =	shalt  }
0x3f: {  	_ =	shalt  }
0x40: {  	_ =	shalt  }
0x41: {  	_ =	shalt  }
0x42: {  	_ =	shalt  }
0x43: {  	_ =	shalt  }
0x44: {  	_ =	shalt  }
0x45: {  	_ =	shalt  }
0x46: {  	_ =	shalt  }
0x47: {  	_ =	shalt  }
0x48: {  	_ =	shalt  }
0x49: {  	_ =	shalt  }
0x4a: {  	_ =	shalt  }
0x4b: {  	_ =	shalt  }
0x4c: {  	_ =	shalt  }
0x4d: {  	_ =	shalt  }
0x4e: {  	_ =	shalt  }
0x4f: {  	_ =	shalt  }
0x50: {  	_ =	shalt  }
0x51: {  	_ =	shalt  }
0x52: {  	_ =	shalt  }
0x53: {  	_ =	shalt  }
0x54: {  	_ =	shalt  }
0x55: {  	_ =	shalt  }
0x56: {  	_ =	shalt  }
0x57: {  	_ =	shalt  }
0x58: {  	_ =	shalt  }
0x59: {  	_ =	shalt  }
0x5a: {  	_ =	shalt  }
0x5b: {  	_ =	shalt  }
0x5c: {  	_ =	shalt  }
0x5d: {  	_ =	shalt  }
0x5e: {  	_ =	shalt  }
0x5f: {  	_ =	shalt  }
0x60: {  	_ =	shalt  }
0x61: {  	_ =	shalt  }
0x62: {  	_ =	shalt  }
0x63: {  	_ =	shalt  }
0x64: {  	_ =	shalt  }
0x65: {  	_ =	shalt  }
0x66: {  	_ =	shalt  }
0x67: {  	_ =	shalt  }
0x68: {  	_ =	shalt  }
0x69: {  	_ =	shalt  }
0x6a: {  	_ =	shalt  }
0x6b: {  	_ =	shalt  }
0x6c: {  	_ =	shalt  }
0x6d: {  	_ =	shalt  }
0x6e: {  	_ =	shalt  }
0x6f: {  	_ =	shalt  }
0x70: {  	_ =	shalt  }
0x71: {  	_ =	shalt  }
0x72: {  	_ =	shalt  }
0x73: {  	_ =	shalt  }
0x74: {  	_ =	shalt  }
0x75: {  	_ =	shalt  }
0x76: {  	_ =	shalt  }
0x77: {  	_ =	shalt  }
0x78: {  	_ =	shalt  }
0x79: {  	_ =	shalt  }
0x7a: {  	_ =	shalt  }
0x7b: {  	_ =	shalt  }
0x7c: {  	_ =	shalt  }
0x7d: {  	_ =	shalt  }
0x7e: {  	_ =	shalt  }
0x7f: {  	_ =	shalt  }
0x80: {  	_ =	shalt  }
0x81: {  	_ =	shalt  }
0x82: {  	_ =	shalt  }
0x83: {  	_ =	shalt  }
0x84: {  	_ =	shalt  }
0x85: {  	_ =	shalt  }
0x86: {  	_ =	shalt  }
0x87: {  	_ =	shalt  }
.Lfunc_end0:
.L_simem_size_0:
called_computation_lowered:
.L_overlay_start_0:
0x88: {  	s2 =	sld [smem:$0x3FD9]  }
0x89: {  	s3 =	sld [smem:$0x3FFE];
	_ =	sdelay $0x1  }
0x8a: {  	s1 =	srdreg.scid  }
0x8b: {  	s0 =	sand.u32 $0x1, s1  }
0x8c: {  	s17 =	sshll.u32 s0, $0xA;
	s2 =	sadd.s32 s3, s2  }
0x8d: {  	s2 =	sadd.s32 s2, s17  }
0x8e: {  	[smem:$0x3FC4] =	sst s2  }
0x8f: {  	_ = 	snop  }
0x90: {  	s2 =	sld [smem:$0x3FD0];
	(tm) =	ssettm $0x1  }
0x91: {  	s18 =	sld [smem:$0x3FFB];
	_ =	sdelay $0x3  }
0x92: {  	_ =	strace s18  }
0x93: {  	s3 =	sld [smem:$0x3FFC];
	_ =	sdelay $0x3  }
0x94: {  	_ =	strace s3  }
0x95: {  	s3 =	sld [smem:$0x3FFD];
	_ =	sdelay $0x3  }
0x96: {  	_ =	strace s3  }
0x97: {  	_ =	strace $0x8FFFFFFF  }
0x98: {  	s19 =	sld [smem:$0x3FDB];
	_ =	sdelay $0x1  }
0x99: {  	s4 =	simm.s32 $_scs_section_size  }
0x9a: {  	s5 =	simm.s32 $_size__tile_overlayer_lowered;
	s6 =	simm.s32 $_tile_overlayer_lowered  }
0x9b: {  	s22 =	simm.s32 $0x1BFF;
	s21 =	sshll.u32 s6, $0x1;
	s3 =	sadd.s32 s4, s19  }
0x9c: {  	s7 =	simm.s32 $0x0;
	s20 =	sshll.u32 s5, $0x1;
	s5 =	sadd.s32 s21, s3  }
0x9d: {  	[timem:s7], [sflag:s22] =	dma.local [hbm:s5], s20  }
0x9e: {  	_ =	swait.ge [sflag:s22], s20  }
0x9f: {  	s4 =	ssub.s32 $0x0, s20;
	[sflag:s22] =	ssyncset.done $0x0  }
0xa0: {  	[sflag:s22] =	ssyncadd.s32 s4;
	_ =	sdelay $0x1  }
0xa1: {  	s23 =	simm.s32 $0x1B8B  }
0xa2: {  	_ =	swait.ge [sflag:s23], $0x1  }
0xa3: {  	[sflag:s23] =	ssyncset.done $0x0  }
0xa4: {  	s25 =	simm.s32 $0x1B8E;
	s24 =	sld [smem:$0x3FFE];
	[sflag:s23] =	ssyncadd.s32 $0xFFFFFFFF  }
0xa5: {  	s26 =	simm.s32 $execute0_lowered;
	[smem:$0x3FD2] =	sst s25  }
0xa6: {  	s5 =	sshll.u32 s26, $0x1;
	_ =	strace $0x80000046;
	[dreg:$0x1] =	wrdreg $0xFFFFFFFF  }
0xa7: {  	s28 =	simm.s32 $_size_execute0_lowered;
	s3 =	sadd.s32 s3, s5;
	[dreg:$0x0] =	wrdreg $0x0  }
0xa8: {  	s5 =	sshll.u32 s28, $0x1;
	[dreg:$0x2] =	wrdreg s3  }
0xa9: {  	[dreg:$0x3] =	wrdreg s5  }
0xaa: {  	[dreg:$0x4] =	wrdreg $0xC0  }
0xab: {  	_ =	task [dreg:s7], $0x5FFFF  }
0xac: {  	[dreg:$0x1] =	wrdreg $0xFFFFFFFF  }
0xad: {  	[dreg:$0x0] =	wrdreg $0x60  }
0xae: {  	[dreg:$0x2] =	wrdreg s2  }
0xaf: {  	[dreg:$0x3] =	wrdreg s24  }
0xb0: {  	[dreg:$0x4] =	wrdreg $0x9  }
0xb1: {  	_ =	task.clear_ibuf [dreg:s7], $0x5FFFF;
	_ =	strace $0x90000046  }
0xb2: {  	s29 =	simm.s32 $0x9;
	_ =	strace $0x80000048  }
0xb3: {  	_ =	swait.ge [sflag:s29], $0x1  }
0xb4: {  	[sflag:s29] =	ssyncadd.s32 $0xFFFFFFFF  }
0xb5: {  	_ =	strace $0x90000048  }
0xb6: {  	_ =	sfence  }
0xb7: {  	s30 =	sld [smem:$0x0];
	_ =	sdelay $0x2  }
0xb8: {  	s31 =	sshll.u32 s1, $0xD;
	s1 =	sshrl.u32 s1, $0x2  }
0xb9: {  	s3 =	sand.u32 $0x4000, s31;
	s1 =	sadd.s32 s1, s30  }
0xba: {  	s0 =	sor.u32 s3, s0;
	s1 =	sshll.u32 s1, $0x11  }
0xbb: {  	s0 =	sor.u32 s1, s0  }
0xbc: {  	s0 =	sadd.s32 $0x8F2B, s0  }
0xbd: {  	[sflag:s0] =	ssyncadd.remote.s32 $0x1  }
0xbe: {  	_ =	sfence.sel $0xFFFF  }
0xbf: {  	[dreg:$0x0] =	wrdreg $0xFFFFFFFF;
	(pc) =	sbr.abs _section_cstart, $3  }
0xc0: {  	[dreg:$0x1] =	wrdreg $0xFFFFFFFF  }
0xc1: {  	_ =	task.clear_ibuf [dreg:s7], $0x2FFFF;
	_ =	strace $0x9FFFFFFF  }
0xc2: {  	(tm) =	ssettm $0x7FFFFFFF  }
0xc3: {  	_ =	shalt  }
tec
execute0_lowered:
.L_overlay_start_1:
0x0: {  	(tag) =	ssettag $0x1  }
0x1: {  	s2 =	rddreg [dreg:$0x0]  }
0x2: {  	s0 =	srdreg.scid;
	s7 =	stileid.u32  }
0x3: {  	s1 =	rddreg [dreg:$0x1];
	s0 =	sand.u32 $0x1, s0;
	s3 =	sshll.u32 s7, $0x1  }
0x4: {  	s4 =	simm.s32 $0x0;
	s3 =	sor.u32 s0, s3;
	s5 =	ssub.s32 $0x2, s0  }
0x5: {  	[smem:$0x7FF] =	sst s4;
	s13 =	smul.u32 $0x680, s3;
	s6 =	sshrl.u32 s5, $0x1  }
0x6: {  	_ =	strace $0x80000047;
	s3 =	sshll.u32 s3, $0x12;
	s5 =	ssub.s32 s5, s6  }
0x7: {  	s4 =	sadd.s32 s13, s1;
	s1 =	sadd.s32 $0xD800, s1;
	s31 =	smax.u32 s5, $0x1  }
0x8: {  	s3 =	sadd.s32 s3, s1;
	s4 =	sadd.s32 $0x800, s4;
	[dreg:$0x14] =	wrdreg s31  }
0x9: {  	s7 =	sshll.u32 s7, $0x13;
	[dreg:$0xb] =	wrdreg s4;
	s15 =	sadd.s32 $0x3C000, s3  }
0xa: {  	s0 =	sshll.u32 s0, $0x12;
	s17 =	sadd.s32 $0x3C800, s3;
	[dreg:$0xc] =	wrdreg s15  }
0xb: {  	s14 =	sor.u32 s0, s7;
	s18 =	sadd.s32 $0x3D000, s3;
	[dreg:$0xd] =	wrdreg s17  }
0xc: {  	s16 =	sadd.s32 s14, s1;
	s8 =	sadd.s32 $0x3D800, s3;
	[dreg:$0xe] =	wrdreg s18  }
0xd: {  	s19 =	sadd.s32 $0x3800, s16;
	[dreg:$0xf] =	wrdreg s8  }
0xe: {  	s21 =	sadd.s32 $0x3E000, s3;
	[dreg:$0x3] =	wrdreg s19  }
0xf: {  	s29 =	simm.s32 $0x4;
	s20 =	sadd.s32 $0x3000, s16;
	[dreg:$0x10] =	wrdreg s21  }
0x10: {  	s9 =	simm.s32 $0xF;
	s23 =	sadd.s32 $0x3E800, s3;
	[dreg:$0x4] =	wrdreg s20  }
0x11: {  	s10 =	simm.s32 $0x8;
	s22 =	sadd.s32 $0x2800, s16;
	[dreg:$0x11] =	wrdreg s23  }
0x12: {  	s11 =	simm.s32 $0x10;
	s25 =	sadd.s32 $0x3F000, s3;
	[dreg:$0x5] =	wrdreg s22  }
0x13: {  	s6 =	simm.s32 $0x6;
	s24 =	sadd.s32 $0x2000, s16;
	[dreg:$0x12] =	wrdreg s25  }
0x14: {  	s5 =	simm.s32 $0xD;
	s3 =	sadd.s32 $0x3F800, s3;
	[dreg:$0x6] =	wrdreg s24  }
0x15: {  	s13 =	simm.s32 $0x0;
	s26 =	sadd.s32 $0x1800, s16;
	[dreg:$0x13] =	wrdreg s3  }
0x16: {  	s1 =	sadd.s32 s7, s1;
	s28 =	sadd.s32 $0x1000, s16;
	[dreg:$0x7] =	wrdreg s26  }
0x17: {  	s7 =	simm.s32 $0xE;
	s30 =	sadd.s32 $0x800, s16;
	[dreg:$0x8] =	wrdreg s28  }
0x18: {  	s0 =	sadd.s32 s0, s1;
	s1 =	simm.s32 $0xD00;
	[dreg:$0x9] =	wrdreg s30  }
0x19: {  	s4 =	simm.s32 $0x5;
	[dreg:$0xa] =	wrdreg s0;
	s15 =	simm.s32 $0x68  }
0x1a: {  	s0 =	simm.s32 $0x1000;
	s22 =	simm.s32 $0xA;
	s24 =	simm.s32 $0x3  }
0x1b: {  	s26 =	simm.s32 $0xB;
	s3 =	simm.s32 $0xC;
	s8 =	simm.s32 $0x7  }
.LBB2_1:
0x1c: {  	[dreg:$0x15] =	wrdreg s13  }
0x1d: {  	s12 =	simm.s32 $0x0;
	s23 =	rddreg [dreg:$0xb];
	s25 =	simm.s32 $0x11  }
0x1e: {  	[tilespmem:s12], [sflag:$0x11] =	stream.linear.gather [hbm4b:s23+s12], $0x3400, $0x38;
	[tilespmem:$0x1D400] =	vst v63  }
0x1f: {  	_ =	swait.ge [sflag:s25], $0x3400  }
0x20: {  	[sflag:s25] =	ssyncset.done $0x0  }
0x21: {  	s13 =	simm.s32 $0x3400;
	[sflag:s25] =	ssyncadd.s32 $0xFFFFCC00  }
0x22: {  	[tilespmem:s13], [sflag:$0x1] =	stream.indirect.gather [hbm4b:s2+s15], $0x80, s12, s15, $0xb8;
	[tilespmem:$0x1D400] =	vst v63  }
0x23: {  	s14 =	simm.s32 $0x6800  }
0x24: {  	[tilespmem:s14], [sflag:$0x2] =	stream.indirect.gather [hbm4b:s2+s15], $0x80, s15, s15, $0xb8;
	[tilespmem:$0x1D400] =	vst v63  }
0x25: {  	s28 =	simm.s32 $0xD0;
	s16 =	simm.s32 $0x9C00  }
0x26: {  	[tilespmem:s16], [sflag:$0x3] =	stream.indirect.gather [hbm4b:s2+s15], $0x80, s28, s15, $0xb8;
	[tilespmem:$0x1D400] =	vst v63  }
0x27: {  	s30 =	simm.s32 $0x138;
	s17 =	simm.s32 $0xD000  }
0x28: {  	[tilespmem:s17], [sflag:$0x4] =	stream.indirect.gather [hbm4b:s2+s15], $0x80, s30, s15, $0xb8;
	[tilespmem:$0x1D400] =	vst v63  }
0x29: {  	s31 =	simm.s32 $0x1A0;
	s19 =	simm.s32 $0x10400  }
0x2a: {  	[tilespmem:s19], [sflag:$0x5] =	stream.indirect.gather [hbm4b:s2+s15], $0x80, s31, s15, $0xb8;
	[tilespmem:$0x1D400] =	vst v63  }
0x2b: {  	s18 =	simm.s32 $0x208;
	s21 =	simm.s32 $0x13800  }
0x2c: {  	[tilespmem:s21], [sflag:$0x6] =	stream.indirect.gather [hbm4b:s2+s15], $0x80, s18, s15, $0xb8;
	[tilespmem:$0x1D400] =	vst v63  }
0x2d: {  	s20 =	simm.s32 $0x270;
	s23 =	simm.s32 $0x16C00  }
0x2e: {  	[tilespmem:s23], [sflag:$0x7] =	stream.indirect.gather [hbm4b:s2+s15], $0x80, s20, s15, $0xb8;
	[tilespmem:$0x1D400] =	vst v63  }
0x2f: {  	s25 =	simm.s32 $0x2D8;
	s18 =	simm.s32 $0x1A000;
	s20 =	simm.s32 $0x1  }
0x30: {  	[tilespmem:s18], [sflag:$0x8] =	stream.indirect.gather [hbm4b:s2+s15], $0x80, s25, s15, $0xb8;
	[tilespmem:$0x1D400] =	vst v63  }
0x31: {  	_ =	swait.ge [sflag:s20], $0x3400  }
0x32: {  	s28 =	rddreg [dreg:$0xa];
	[sflag:s20] =	ssyncset.done $0x0  }
0x33: {  	s30 =	simm.s32 $0x9;
	[sflag:s20] =	ssyncadd.s32 $0xFFFFCC00;
	s12 =	sadd.s32 $0x0, s28  }
0x34: {  	[hbm4b:s12+s1] =	stream.strided.scatter [tilespmem:s13], [sflag:$0x9], $0x3400, s0, s1, $0x38;
	[tilespmem:$0x1D400] =	vst v63  }
0x35: {  	_ =	swait.ge [sflag:s30], $0x3400  }
0x36: {  	[sflag:s30] =	ssyncset.done $0x0  }
0x37: {  	s31 =	simm.s32 $0x340;
	s20 =	simm.s32 $0x2;
	[sflag:s30] =	ssyncadd.s32 $0xFFFFCC00  }
0x38: {  	[tilespmem:s13], [sflag:$0x1] =	stream.indirect.gather [hbm4b:s2+s15], $0x80, s31, s15, $0xb8;
	[tilespmem:$0x1D400] =	vst v63  }
0x39: {  	_ =	swait.ge [sflag:s20], $0x3400  }
0x3a: {  	s25 =	rddreg [dreg:$0x9];
	[sflag:s20] =	ssyncset.done $0x0  }
0x3b: {  	[sflag:s20] =	ssyncadd.s32 $0xFFFFCC00;
	s12 =	sadd.s32 $0x0, s25  }
0x3c: {  	[hbm4b:s12+s1] =	stream.strided.scatter [tilespmem:s14], [sflag:$0xA], $0x3400, s0, s1, $0x38;
	[tilespmem:$0x1D400] =	vst v63  }
0x3d: {  	_ =	swait.ge [sflag:s22], $0x3400  }
0x3e: {  	[sflag:s22] =	ssyncset.done $0x0  }
0x3f: {  	s28 =	simm.s32 $0x3A8;
	[sflag:s22] =	ssyncadd.s32 $0xFFFFCC00  }
0x40: {  	[tilespmem:s14], [sflag:$0x2] =	stream.indirect.gather [hbm4b:s2+s15], $0x80, s28, s15, $0xb8;
	[tilespmem:$0x1D400] =	vst v63  }
0x41: {  	_ =	swait.ge [sflag:s24], $0x3400  }
0x42: {  	s30 =	rddreg [dreg:$0x8];
	[sflag:s24] =	ssyncset.done $0x0  }
0x43: {  	[sflag:s24] =	ssyncadd.s32 $0xFFFFCC00;
	s12 =	sadd.s32 $0x0, s30  }
0x44: {  	[hbm4b:s12+s1] =	stream.strided.scatter [tilespmem:s16], [sflag:$0xB], $0x3400, s0, s1, $0x38;
	[tilespmem:$0x1D400] =	vst v63  }
0x45: {  	_ =	swait.ge [sflag:s26], $0x3400  }
0x46: {  	[sflag:s26] =	ssyncset.done $0x0  }
0x47: {  	s31 =	simm.s32 $0x410;
	[sflag:s26] =	ssyncadd.s32 $0xFFFFCC00  }
0x48: {  	[tilespmem:s16], [sflag:$0x3] =	stream.indirect.gather [hbm4b:s2+s15], $0x80, s31, s15, $0xb8;
	[tilespmem:$0x1D400] =	vst v63  }
0x49: {  	_ =	swait.ge [sflag:s29], $0x3400  }
0x4a: {  	s13 =	rddreg [dreg:$0x7];
	[sflag:s29] =	ssyncset.done $0x0  }
0x4b: {  	[sflag:s29] =	ssyncadd.s32 $0xFFFFCC00;
	s12 =	sadd.s32 $0x0, s13  }
0x4c: {  	[hbm4b:s12+s1] =	stream.strided.scatter [tilespmem:s17], [sflag:$0xC], $0x3400, s0, s1, $0x38;
	[tilespmem:$0x1D400] =	vst v63  }
0x4d: {  	_ =	swait.ge [sflag:s3], $0x3400  }
0x4e: {  	[sflag:s3] =	ssyncset.done $0x0  }
0x4f: {  	s14 =	simm.s32 $0x478;
	[sflag:s3] =	ssyncadd.s32 $0xFFFFCC00  }
0x50: {  	[tilespmem:s17], [sflag:$0x4] =	stream.indirect.gather [hbm4b:s2+s15], $0x80, s14, s15, $0xb8;
	[tilespmem:$0x1D400] =	vst v63  }
0x51: {  	_ =	swait.ge [sflag:s4], $0x3400  }
0x52: {  	s16 =	rddreg [dreg:$0x6];
	[sflag:s4] =	ssyncset.done $0x0  }
0x53: {  	[sflag:s4] =	ssyncadd.s32 $0xFFFFCC00;
	s12 =	sadd.s32 $0x0, s16  }
0x54: {  	[hbm4b:s12+s1] =	stream.strided.scatter [tilespmem:s19], [sflag:$0xD], $0x3400, s0, s1, $0x38;
	[tilespmem:$0x1D400] =	vst v63  }
0x55: {  	_ =	swait.ge [sflag:s5], $0x3400  }
0x56: {  	[sflag:s5] =	ssyncset.done $0x0  }
0x57: {  	s17 =	simm.s32 $0x4E0;
	[sflag:s5] =	ssyncadd.s32 $0xFFFFCC00  }
0x58: {  	[tilespmem:s19], [sflag:$0x5] =	stream.indirect.gather [hbm4b:s2+s15], $0x80, s17, s15, $0xb8;
	[tilespmem:$0x1D400] =	vst v63  }
0x59: {  	_ =	swait.ge [sflag:s6], $0x3400  }
0x5a: {  	s20 =	rddreg [dreg:$0x5];
	[sflag:s6] =	ssyncset.done $0x0  }
0x5b: {  	[sflag:s6] =	ssyncadd.s32 $0xFFFFCC00;
	s12 =	sadd.s32 $0x0, s20  }
0x5c: {  	[hbm4b:s12+s1] =	stream.strided.scatter [tilespmem:s21], [sflag:$0xE], $0x3400, s0, s1, $0x38;
	[tilespmem:$0x1D400] =	vst v63  }
0x5d: {  	_ =	swait.ge [sflag:s7], $0x3400  }
0x5e: {  	[sflag:s7] =	ssyncset.done $0x0  }
0x5f: {  	s25 =	simm.s32 $0x548;
	[sflag:s7] =	ssyncadd.s32 $0xFFFFCC00  }
0x60: {  	[tilespmem:s21], [sflag:$0x6] =	stream.indirect.gather [hbm4b:s2+s15], $0x80, s25, s15, $0xb8;
	[tilespmem:$0x1D400] =	vst v63  }
0x61: {  	_ =	swait.ge [sflag:s8], $0x3400  }
0x62: {  	s28 =	rddreg [dreg:$0x4];
	[sflag:s8] =	ssyncset.done $0x0  }
0x63: {  	[sflag:s8] =	ssyncadd.s32 $0xFFFFCC00;
	s12 =	sadd.s32 $0x0, s28  }
0x64: {  	[hbm4b:s12+s1] =	stream.strided.scatter [tilespmem:s23], [sflag:$0xF], $0x3400, s0, s1, $0x38;
	[tilespmem:$0x1D400] =	vst v63  }
0x65: {  	_ =	swait.ge [sflag:s9], $0x3400  }
0x66: {  	[sflag:s9] =	ssyncset.done $0x0  }
0x67: {  	s30 =	simm.s32 $0x5B0;
	[sflag:s9] =	ssyncadd.s32 $0xFFFFCC00  }
0x68: {  	[tilespmem:s23], [sflag:$0x7] =	stream.indirect.gather [hbm4b:s2+s15], $0x80, s30, s15, $0xb8;
	[tilespmem:$0x1D400] =	vst v63  }
0x69: {  	_ =	swait.ge [sflag:s10], $0x3400  }
0x6a: {  	s31 =	rddreg [dreg:$0x3];
	[sflag:s10] =	ssyncset.done $0x0  }
0x6b: {  	[sflag:s10] =	ssyncadd.s32 $0xFFFFCC00;
	s12 =	sadd.s32 $0x0, s31  }
0x6c: {  	[hbm4b:s12+s1] =	stream.strided.scatter [tilespmem:s18], [sflag:$0x10], $0x3400, s0, s1, $0x38;
	[tilespmem:$0x1D400] =	vst v63  }
0x6d: {  	_ =	swait.ge [sflag:s11], $0x3400  }
0x6e: {  	s13 =	simm.s32 $0x618;
	[sflag:s11] =	ssyncset.done $0x0  }
0x6f: {  	s14 =	simm.s32 $0x4000;
	s12 =	simm.s32 $0x958;
	[sflag:s11] =	ssyncadd.s32 $0xFFFFCC00  }
.LBB2_2:
0x70: {  	s20 =	simm.s32 $0x1A000;
	s18 =	simm.s32 $0x1  }
0x71: {  	[tilespmem:s20], [sflag:$0x8] =	stream.indirect.gather [hbm4b:s2+s15], $0x80, s13, s15, $0xb8;
	[tilespmem:$0x1D400] =	vst v63  }
0x72: {  	s16 =	smov.u32 s14;
	_ =	swait.ge [sflag:s18], $0x3400  }
0x73: {  	s21 =	simm.s32 $0x3400;
	s17 =	rddreg [dreg:$0xa];
	[sflag:s18] =	ssyncset.done $0x0  }
0x74: {  	s25 =	simm.s32 $0x9;
	[sflag:s18] =	ssyncadd.s32 $0xFFFFCC00;
	s17 =	sadd.s32 s16, s17  }
0x75: {  	[hbm4b:s17+s1] =	stream.strided.scatter [tilespmem:s21], [sflag:$0x9], $0x3400, s0, s1, $0x38;
	[tilespmem:$0x1D400] =	vst v63  }
0x76: {  	_ =	swait.ge [sflag:s25], $0x3400  }
0x77: {  	[sflag:s25] =	ssyncset.done $0x0  }
0x78: {  	s23 =	simm.s32 $0x2;
	s18 =	sadd.s32 $0xFFFFFD28, s12;
	[sflag:s25] =	ssyncadd.s32 $0xFFFFCC00  }
0x79: {  	[tilespmem:s21], [sflag:$0x1] =	stream.indirect.gather [hbm4b:s2+s15], $0x80, s18, s15, $0xb8;
	[tilespmem:$0x1D400] =	vst v63  }
0x7a: {  	_ =	swait.ge [sflag:s23], $0x3400  }
0x7b: {  	s25 =	rddreg [dreg:$0x9];
	[sflag:s23] =	ssyncset.done $0x0  }
0x7c: {  	[sflag:s23] =	ssyncadd.s32 $0xFFFFCC00;
	s17 =	sadd.s32 s16, s25;
	s23 =	simm.s32 $0x6800  }
0x7d: {  	[hbm4b:s17+s1] =	stream.strided.scatter [tilespmem:s23], [sflag:$0xA], $0x3400, s0, s1, $0x38;
	[tilespmem:$0x1D400] =	vst v63  }
0x7e: {  	_ =	swait.ge [sflag:s22], $0x3400  }
0x7f: {  	[sflag:s22] =	ssyncset.done $0x0  }
0x80: {  	s18 =	sadd.s32 $0xFFFFFD90, s12;
	[sflag:s22] =	ssyncadd.s32 $0xFFFFCC00  }
0x81: {  	[tilespmem:s23], [sflag:$0x2] =	stream.indirect.gather [hbm4b:s2+s15], $0x80, s18, s15, $0xb8;
	[tilespmem:$0x1D400] =	vst v63  }
0x82: {  	_ =	swait.ge [sflag:s24], $0x3400  }
0x83: {  	s25 =	rddreg [dreg:$0x8];
	[sflag:s24] =	ssyncset.done $0x0  }
0x84: {  	[sflag:s24] =	ssyncadd.s32 $0xFFFFCC00;
	s17 =	sadd.s32 s16, s25;
	s25 =	simm.s32 $0x9C00  }
0x85: {  	[hbm4b:s17+s1] =	stream.strided.scatter [tilespmem:s25], [sflag:$0xB], $0x3400, s0, s1, $0x38;
	[tilespmem:$0x1D400] =	vst v63  }
0x86: {  	_ =	swait.ge [sflag:s26], $0x3400  }
0x87: {  	[sflag:s26] =	ssyncset.done $0x0  }
0x88: {  	s18 =	sadd.s32 $0xFFFFFDF8, s12;
	[sflag:s26] =	ssyncadd.s32 $0xFFFFCC00  }
0x89: {  	[tilespmem:s25], [sflag:$0x3] =	stream.indirect.gather [hbm4b:s2+s15], $0x80, s18, s15, $0xb8;
	[tilespmem:$0x1D400] =	vst v63  }
0x8a: {  	_ =	swait.ge [sflag:s29], $0x3400  }
0x8b: {  	s25 =	rddreg [dreg:$0x7];
	[sflag:s29] =	ssyncset.done $0x0  }
0x8c: {  	s28 =	simm.s32 $0xD000;
	[sflag:s29] =	ssyncadd.s32 $0xFFFFCC00;
	s17 =	sadd.s32 s16, s25  }
0x8d: {  	[hbm4b:s17+s1] =	stream.strided.scatter [tilespmem:s28], [sflag:$0xC], $0x3400, s0, s1, $0x38;
	[tilespmem:$0x1D400] =	vst v63  }
0x8e: {  	_ =	swait.ge [sflag:s3], $0x3400  }
0x8f: {  	[sflag:s3] =	ssyncset.done $0x0  }
0x90: {  	s18 =	sadd.s32 $0xFFFFFE60, s12;
	[sflag:s3] =	ssyncadd.s32 $0xFFFFCC00  }
0x91: {  	[tilespmem:s28], [sflag:$0x4] =	stream.indirect.gather [hbm4b:s2+s15], $0x80, s18, s15, $0xb8;
	[tilespmem:$0x1D400] =	vst v63  }
0x92: {  	_ =	swait.ge [sflag:s4], $0x3400  }
0x93: {  	s18 =	rddreg [dreg:$0x6];
	[sflag:s4] =	ssyncset.done $0x0  }
0x94: {  	s30 =	simm.s32 $0x10400;
	[sflag:s4] =	ssyncadd.s32 $0xFFFFCC00;
	s17 =	sadd.s32 s16, s18  }
0x95: {  	[hbm4b:s17+s1] =	stream.strided.scatter [tilespmem:s30], [sflag:$0xD], $0x3400, s0, s1, $0x38;
	[tilespmem:$0x1D400] =	vst v63  }
0x96: {  	_ =	swait.ge [sflag:s5], $0x3400  }
0x97: {  	[sflag:s5] =	ssyncset.done $0x0  }
0x98: {  	s18 =	sadd.s32 $0xFFFFFEC8, s12;
	[sflag:s5] =	ssyncadd.s32 $0xFFFFCC00  }
0x99: {  	[tilespmem:s30], [sflag:$0x5] =	stream.indirect.gather [hbm4b:s2+s15], $0x80, s18, s15, $0xb8;
	[tilespmem:$0x1D400] =	vst v63  }
0x9a: {  	_ =	swait.ge [sflag:s6], $0x3400  }
0x9b: {  	s18 =	rddreg [dreg:$0x5];
	[sflag:s6] =	ssyncset.done $0x0  }
0x9c: {  	s31 =	simm.s32 $0x13800;
	[sflag:s6] =	ssyncadd.s32 $0xFFFFCC00;
	s17 =	sadd.s32 s16, s18  }
0x9d: {  	[hbm4b:s17+s1] =	stream.strided.scatter [tilespmem:s31], [sflag:$0xE], $0x3400, s0, s1, $0x38;
	[tilespmem:$0x1D400] =	vst v63  }
0x9e: {  	_ =	swait.ge [sflag:s7], $0x3400  }
0x9f: {  	[sflag:s7] =	ssyncset.done $0x0  }
0xa0: {  	s18 =	sadd.s32 $0xFFFFFF30, s12;
	[sflag:s7] =	ssyncadd.s32 $0xFFFFCC00  }
0xa1: {  	[tilespmem:s31], [sflag:$0x6] =	stream.indirect.gather [hbm4b:s2+s15], $0x80, s18, s15, $0xb8;
	[tilespmem:$0x1D400] =	vst v63  }
0xa2: {  	_ =	swait.ge [sflag:s8], $0x3400  }
0xa3: {  	s18 =	rddreg [dreg:$0x4];
	[sflag:s8] =	ssyncset.done $0x0  }
0xa4: {  	[sflag:s8] =	ssyncadd.s32 $0xFFFFCC00;
	s17 =	sadd.s32 s16, s18;
	s18 =	simm.s32 $0x16C00  }
0xa5: {  	[hbm4b:s17+s1] =	stream.strided.scatter [tilespmem:s18], [sflag:$0xF], $0x3400, s0, s1, $0x38;
	[tilespmem:$0x1D400] =	vst v63  }
0xa6: {  	_ =	swait.ge [sflag:s9], $0x3400  }
0xa7: {  	p0 =	sne.s32 s14, $0x38000;
	[sflag:s9] =	ssyncset.done $0x0  }
0xa8: {  	s14 =	sadd.s32 $0x4000, s14;
	s17 =	sadd.s32 $0xFFFFFF98, s12;
	[sflag:s9] =	ssyncadd.s32 $0xFFFFCC00  }
0xa9: {  	[tilespmem:s18], [sflag:$0x7] =	stream.indirect.gather [hbm4b:s2+s15], $0x80, s17, s15, $0xb8;
	[tilespmem:$0x1D400] =	vst v63  }
0xaa: {  	s19 =	simm.s32 $0x3400;
	s13 =	smov.u32 s12;
	_ =	swait.ge [sflag:s10], $0x3400  }
0xab: {  	s21 =	simm.s32 $0x6800;
	s18 =	rddreg [dreg:$0x3];
	[sflag:s10] =	ssyncset.done $0x0  }
.Ltmp0:
0xac: {  	[sflag:s10] =	ssyncadd.s32 $0xFFFFCC00;
	s16 =	sadd.s32 s16, s18;
	(pc) =	sbr.rel @p0 .LBB2_2-.Ltmp0, $4  }
0xad: {  	[hbm4b:s16+s1] =	stream.strided.scatter [tilespmem:s20], [sflag:$0x10], $0x3400, s0, s1, $0x38;
	[tilespmem:$0x1D400] =	vst v63  }
0xae: {  	s23 =	simm.s32 $0x9C00;
	s25 =	simm.s32 $0xD000;
	_ =	swait.ge [sflag:s11], $0x3400  }
0xaf: {  	s28 =	simm.s32 $0x10400;
	s30 =	simm.s32 $0x13800;
	[sflag:s11] =	ssyncset.done $0x0  }
0xb0: {  	s31 =	simm.s32 $0x16C00;
	s12 =	sadd.s32 $0x340, s12;
	[sflag:s11] =	ssyncadd.s32 $0xFFFFCC00  }
0xb1: {  	s14 =	simm.s32 $0x1A000;
	s12 =	simm.s32 $0x1  }
0xb2: {  	[tilespmem:s14], [sflag:$0x8] =	stream.indirect.gather [hbm4b:s2+s15], $0x80, s13, s15, $0xb8;
	[tilespmem:$0x1D400] =	vst v63  }
0xb3: {  	_ =	swait.ge [sflag:s12], $0x3400  }
0xb4: {  	[sflag:s12] =	ssyncset.done $0x0  }
0xb5: {  	s16 =	simm.s32 $0x2;
	s13 =	rddreg [dreg:$0xc];
	[sflag:s12] =	ssyncadd.s32 $0xFFFFCC00  }
0xb6: {  	[hbm4b:s13+s1] =	stream.strided.scatter [tilespmem:s19], [sflag:$0x9], $0x3400, s0, s1, $0x38;
	[tilespmem:$0x1D400] =	vst v63  }
0xb7: {  	_ =	swait.ge [sflag:s16], $0x3400  }
0xb8: {  	[sflag:s16] =	ssyncset.done $0x0  }
0xb9: {  	s17 =	rddreg [dreg:$0xd];
	[sflag:s16] =	ssyncadd.s32 $0xFFFFCC00  }
0xba: {  	[hbm4b:s17+s1] =	stream.strided.scatter [tilespmem:s21], [sflag:$0xA], $0x3400, s0, s1, $0x38;
	[tilespmem:$0x1D400] =	vst v63  }
0xbb: {  	_ =	swait.ge [sflag:s24], $0x3400  }
0xbc: {  	[sflag:s24] =	ssyncset.done $0x0  }
0xbd: {  	s18 =	rddreg [dreg:$0xe];
	[sflag:s24] =	ssyncadd.s32 $0xFFFFCC00  }
0xbe: {  	[hbm4b:s18+s1] =	stream.strided.scatter [tilespmem:s23], [sflag:$0xB], $0x3400, s0, s1, $0x38;
	[tilespmem:$0x1D400] =	vst v63  }
0xbf: {  	_ =	swait.ge [sflag:s29], $0x3400  }
0xc0: {  	[sflag:s29] =	ssyncset.done $0x0  }
0xc1: {  	s19 =	rddreg [dreg:$0xf];
	[sflag:s29] =	ssyncadd.s32 $0xFFFFCC00  }
0xc2: {  	[hbm4b:s19+s1] =	stream.strided.scatter [tilespmem:s25], [sflag:$0xC], $0x3400, s0, s1, $0x38;
	[tilespmem:$0x1D400] =	vst v63  }
0xc3: {  	_ =	swait.ge [sflag:s4], $0x3400  }
0xc4: {  	[sflag:s4] =	ssyncset.done $0x0  }
0xc5: {  	s20 =	rddreg [dreg:$0x10];
	[sflag:s4] =	ssyncadd.s32 $0xFFFFCC00  }
0xc6: {  	[hbm4b:s20+s1] =	stream.strided.scatter [tilespmem:s28], [sflag:$0xD], $0x3400, s0, s1, $0x38;
	[tilespmem:$0x1D400] =	vst v63  }
0xc7: {  	_ =	swait.ge [sflag:s6], $0x3400  }
0xc8: {  	[sflag:s6] =	ssyncset.done $0x0  }
0xc9: {  	s21 =	rddreg [dreg:$0x11];
	[sflag:s6] =	ssyncadd.s32 $0xFFFFCC00  }
0xca: {  	[hbm4b:s21+s1] =	stream.strided.scatter [tilespmem:s30], [sflag:$0xE], $0x3400, s0, s1, $0x38;
	[tilespmem:$0x1D400] =	vst v63  }
0xcb: {  	_ =	swait.ge [sflag:s8], $0x3400  }
0xcc: {  	[sflag:s8] =	ssyncset.done $0x0  }
0xcd: {  	s23 =	rddreg [dreg:$0x12];
	[sflag:s8] =	ssyncadd.s32 $0xFFFFCC00  }
0xce: {  	[hbm4b:s23+s1] =	stream.strided.scatter [tilespmem:s31], [sflag:$0xF], $0x3400, s0, s1, $0x38;
	[tilespmem:$0x1D400] =	vst v63  }
0xcf: {  	_ =	swait.ge [sflag:s10], $0x3400  }
0xd0: {  	[sflag:s10] =	ssyncset.done $0x0  }
0xd1: {  	s28 =	simm.s32 $0x9;
	s25 =	rddreg [dreg:$0x13];
	[sflag:s10] =	ssyncadd.s32 $0xFFFFCC00  }
0xd2: {  	[hbm4b:s25+s1] =	stream.strided.scatter [tilespmem:s14], [sflag:$0x10], $0x3400, s0, s1, $0x38;
	[tilespmem:$0x1D400] =	vst v63  }
0xd3: {  	_ =	swait.ge [sflag:s28], $0x3400  }
0xd4: {  	[sflag:s28] =	ssyncset.done $0x0  }
0xd5: {  	[sflag:s28] =	ssyncadd.s32 $0xFFFFCC00  }
0xd6: {  	_ =	swait.ge [sflag:s22], $0x3400  }
0xd7: {  	[sflag:s22] =	ssyncset.done $0x0  }
0xd8: {  	[sflag:s22] =	ssyncadd.s32 $0xFFFFCC00  }
0xd9: {  	_ =	swait.ge [sflag:s26], $0x3400  }
0xda: {  	[sflag:s26] =	ssyncset.done $0x0  }
0xdb: {  	[sflag:s26] =	ssyncadd.s32 $0xFFFFCC00  }
0xdc: {  	_ =	swait.ge [sflag:s3], $0x3400  }
0xdd: {  	[sflag:s3] =	ssyncset.done $0x0  }
0xde: {  	[sflag:s3] =	ssyncadd.s32 $0xFFFFCC00  }
0xdf: {  	_ =	swait.ge [sflag:s5], $0x3400  }
0xe0: {  	[sflag:s5] =	ssyncset.done $0x0  }
0xe1: {  	[sflag:s5] =	ssyncadd.s32 $0xFFFFCC00  }
0xe2: {  	_ =	swait.ge [sflag:s7], $0x3400  }
0xe3: {  	[sflag:s7] =	ssyncset.done $0x0  }
0xe4: {  	[sflag:s7] =	ssyncadd.s32 $0xFFFFCC00  }
0xe5: {  	_ =	swait.ge [sflag:s9], $0x3400  }
0xe6: {  	[sflag:s9] =	ssyncset.done $0x0  }
0xe7: {  	[sflag:s9] =	ssyncadd.s32 $0xFFFFCC00  }
0xe8: {  	_ =	swait.ge [sflag:s11], $0x3400  }
0xe9: {  	s30 =	rddreg [dreg:$0x15]  }
0xea: {  	s31 =	rddreg [dreg:$0x14];
	s13 =	sadd.s32 $0x1, s30  }
0xeb: {  	p0 =	sne.s32 s13, s31  }
.Ltmp1:
0xec: {  	_ = 	snop;
	(pc) =	sbr.rel @p0 .LBB2_1-.Ltmp1, $3  }
0xed: {  	_ =	sdelay $0x1  }
0xee: {  	[sflag:s11] =	ssyncset.done $0x0  }
0xef: {  	[sflag:s11] =	ssyncadd.s32 $0xFFFFCC00  }
0xf0: {  	_ =	sfence.sel $0x180000  }
0xf1: {  	[bflag:$0x0] =	sbarrier.arrive $0xFFFF  }
0xf2: {  	_ =	strace $0x90000047  }
0xf3: {  	s0 =	stileid.u32;
	[bflag:$0x2] =	sbarrier.arrive $0xFFFF  }
0xf4: {  	p0 =	sne.s32 s0, $0x0;
	s0 =	rddreg [dreg:$0x2]  }
0xf5: {  	s0 =	sadd.s32 @!p0 $0x100000, s0  }
0xf6: {  	[sflag:s0] =	ssyncadd.tile.s32 @!p0 $0x1;
	_ =	shalt  }
.Lfunc_end2:
_tile_overlayer_lowered:
.L_overlay_start_2:
0xf7: {  	(tag) =	ssettag $0x2  }
0xf8: {  	s0 =	rddreg [dreg:$0x0];
	s2 =	stileid.u32  }
0xf9: {  	s1 =	rddreg [dreg:$0x1];
	p0 =	sne.s32 s2, $0x0  }
0xfa: {  	s3 =	rddreg [dreg:$0x2];
	[bflag:$0x3] =	sbarrier.arrive $0xFFFF;
	s2 =	simm.s32 @!p0 $0x1C11  }
0xfb: {  	[timem:s3], [sflag:s2] =	dma.local @!p0 [hbm:s0], s1  }
0xfc: {  	s0 =	simm.s32 @!p0 $0x11  }
0xfd: {  	_ =	swait.ge @!p0 [sflag:s0], s1  }
0xfe: {  	s1 =	ssub.s32 @!p0 $0x0, s1;
	[sflag:s0] =	ssyncset.done @!p0 $0x0  }
0xff: {  	[sflag:s0] =	ssyncadd.s32 @!p0 s1  }
0x100: {  	[bflag:$0x3] =	sbarrier.arrive $0xFFFF  }
0x101: {  	_ =	shalt  }

</sc_bundles>
